<compile_context>
chip_gen: v7x
topology: tpu7x:2x2x1
jax: 0.10.2.dev20260603
libtpu: 0.0.44.dev20260713+nightly
codegen_flags: <defaults>
</compile_context>

<pallas_src>
import functools

import jax
import jax.numpy as jnp
import numpy as np
from jax.experimental import pallas as pl
from jax.experimental.pallas import tpu as pltpu

N = 10000
FEAT = 128
NP = 10240
NB = 1024
EDGE_B = 2048


def _dense_kernel(t_ref, wt_ref, as_ref, ad_ref, h_ref, es_ref, ed_ref):
    h = jnp.dot(t_ref[...], wt_ref[...], preferred_element_type=jnp.float32)
    h_ref[...] = h
    es_ref[...] = jnp.dot(h, as_ref[...], preferred_element_type=jnp.float32)
    ed_ref[...] = jnp.dot(h, ad_ref[...], preferred_element_type=jnp.float32)


def _scatter_kernel(src_ref, dst_ref, es_ref, ed_ref, h_ref,
                    den_ref, acc_ref):
    @pl.when(pl.program_id(0) == 0)
    def _init():
        den_ref[...] = jnp.zeros((NP, FEAT), jnp.float32)
        acc_ref[...] = jnp.zeros((NP, FEAT), jnp.float32)

    def body(j, carry):
        s = src_ref[0, 0, j]
        d = dst_ref[0, 0, j]
        v = es_ref[pl.ds(s, 1), :] + ed_ref[pl.ds(d, 1), :]
        e = jnp.maximum(v, 0.2 * v)
        ex = jnp.exp(e)
        den_ref[pl.ds(d, 1), :] = den_ref[pl.ds(d, 1), :] + ex
        acc_ref[pl.ds(d, 1), :] = (acc_ref[pl.ds(d, 1), :]
                                   + ex * h_ref[pl.ds(s, 1), :])
        return carry

    jax.lax.fori_loop(0, EDGE_B, body, 0, unroll=16)


def _gat_pallas(t, srcb, dstb, W, a_s, a_d, b, n_edge_blocks):
    tp = jnp.zeros((NP, FEAT), jnp.float32).at[:N].set(t)
    as_b = jnp.broadcast_to(a_s[:, None], (FEAT, FEAT))
    ad_b = jnp.broadcast_to(a_d[:, None], (FEAT, FEAT))

    h, es, ed = pl.pallas_call(
        _dense_kernel,
        grid=(NP // NB,),
        in_specs=[
            pl.BlockSpec((NB, FEAT), lambda i: (i, 0)),
            pl.BlockSpec((FEAT, FEAT), lambda i: (0, 0)),
            pl.BlockSpec((FEAT, FEAT), lambda i: (0, 0)),
            pl.BlockSpec((FEAT, FEAT), lambda i: (0, 0)),
        ],
        out_specs=[
            pl.BlockSpec((NB, FEAT), lambda i: (i, 0)),
            pl.BlockSpec((NB, FEAT), lambda i: (i, 0)),
            pl.BlockSpec((NB, FEAT), lambda i: (i, 0)),
        ],
        out_shape=[
            jax.ShapeDtypeStruct((NP, FEAT), jnp.float32),
            jax.ShapeDtypeStruct((NP, FEAT), jnp.float32),
            jax.ShapeDtypeStruct((NP, FEAT), jnp.float32),
        ],
    )(tp, W.T, as_b, ad_b)

    idx_spec = pl.BlockSpec((1, 1, EDGE_B), lambda i: (i, 0, 0),
                            memory_space=pltpu.SMEM)
    full_spec = pl.BlockSpec((NP, FEAT), lambda i: (0, 0))

    den, acc = pl.pallas_call(
        _scatter_kernel,
        grid=(n_edge_blocks,),
        in_specs=[idx_spec, idx_spec, full_spec, full_spec, full_spec],
        out_specs=[full_spec, full_spec],
        out_shape=[
            jax.ShapeDtypeStruct((NP, FEAT), jnp.float32),
            jax.ShapeDtypeStruct((NP, FEAT), jnp.float32),
        ],
    )(srcb, dstb, es, ed, h)

    return acc[:N] / (den[:N] + 1e-16) + b


def _conv_bn_relu(x, w, bias, gamma, beta):
    y = jax.lax.conv_general_dilated(
        x, w, window_strides=(1,), padding=[(3, 3)],
        dimension_numbers=('NCH', 'OIH', 'NCH'))
    y = y + bias[None, :, None]
    mean = jnp.mean(y, axis=(0, 2), keepdims=True)
    var = jnp.var(y, axis=(0, 2), keepdims=True)
    yn = (y - mean) / jnp.sqrt(var + 1e-5)
    return jax.nn.relu(yn * gamma[None, :, None] + beta[None, :, None])


def kernel(x, edge_index, dtp, dts, conv1_w, conv1_b, bn1_g, bn1_b,
           conv2_w, conv2_b, bn2_g, bn2_b, W1, a_src1, a_dst1, b1,
           W2, a_src2, a_dst2, b2):
    value = _conv_bn_relu(x, conv1_w, conv1_b, bn1_g, bn1_b)
    value = _conv_bn_relu(value, conv2_w, conv2_b, bn2_g, bn2_b)

    sp = (dtp.reshape(-1) * 3072.0).astype(jnp.int32)
    ss = (dts.reshape(-1) * 3072.0).astype(jnp.int32)
    lane = jnp.arange(FEAT, dtype=jnp.int32)[None, :]

    def roll(v, s):
        return jnp.take_along_axis(v, (lane - s[:, None]) % FEAT, axis=1)

    t0 = roll(value[:, 0, :], sp)
    t1 = roll(value[:, 1, :], ss)
    temp_value = jnp.stack([t0, t1], axis=1)

    loop = jnp.arange(N, dtype=edge_index.dtype)
    src = jnp.concatenate([edge_index[0], loop])
    dst = jnp.concatenate([edge_index[1], loop])
    n_edges = src.shape[0]
    n_blocks = -(-n_edges // EDGE_B)
    pad = n_blocks * EDGE_B - n_edges
    srcb = jnp.concatenate(
        [src, jnp.full((pad,), NP - 1, src.dtype)]).reshape(n_blocks, 1,
                                                            EDGE_B)
    dstb = jnp.concatenate(
        [dst, jnp.full((pad,), NP - 1, dst.dtype)]).reshape(n_blocks, 1,
                                                            EDGE_B)

    o0 = _gat_pallas(t0, srcb, dstb, W1, a_src1, a_dst1, b1, n_blocks)
    o1 = _gat_pallas(t1, srcb, dstb, W2, a_src2, a_dst2, b2, n_blocks)

    out = jnp.stack([o0, o1], axis=1)
    r0 = roll(o0, -sp)
    r1 = roll(o1, -ss)
    out1 = jnp.stack([r0, r1], axis=1)
    return (out1, out, temp_value)

# --- scband reference (transcript-rebuilt; emitter-appended) ---
"""Pipeline reference for scband-gnn-layer-gat-8589934592117 (READ-ONLY COPY).

The authoritative reference and input builder live on the scoring server;
editing this copy changes nothing except your own understanding.
"""

import jax, jax.numpy as jnp
import numpy as np

N = 10000
E = 320000
FEAT = 128
C = 2


def _conv1d(x, w, b):
    y = jax.lax.conv_general_dilated(x, w, window_strides=(1,), padding=[(3, 3)], dimension_numbers=('NCH', 'OIH', 'NCH'))
    return y + b[None, :, None]


def _bn(x, gamma, beta):
    mean = jnp.mean(x, axis=(0, 2), keepdims=True)
    var = jnp.var(x, axis=(0, 2), keepdims=True)
    xn = (x - mean) / jnp.sqrt(var + 1e-5)
    return xn * gamma[None, :, None] + beta[None, :, None]


def _gat(x, src, dst, W, a_s, a_d, b):
    n = x.shape[0]
    h = x @ W.T
    e_src = h @ a_s
    e_dst = h @ a_d
    e = jax.nn.leaky_relu(e_src[src] + e_dst[dst], 0.2)
    m = jax.ops.segment_max(e, dst, num_segments=n)
    m = jnp.where(jnp.isfinite(m), m, 0.0)
    ex = jnp.exp(e - m[dst])
    denom = jax.ops.segment_sum(ex, dst, num_segments=n)
    alpha = ex / (denom[dst] + 1e-16)
    out = jax.ops.segment_sum(alpha[:, None] * h[src], dst, num_segments=n)
    return out + b


def setup_inputs(seed: int = 0):
    key = jax.random.key(seed)
    ks = jax.random.split(key, 16)
    x = jax.random.normal(ks[0], (N, C, FEAT), dtype=jnp.float32)
    edge_index = jax.random.randint(ks[1], (2, E), 0, N, dtype=jnp.int32)
    dtp = jax.random.uniform(ks[2], (N,), dtype=jnp.float32)
    dts = jax.random.uniform(ks[3], (N,), dtype=jnp.float32)
    conv1_w = jax.random.normal(ks[4], (C, C, 7), dtype=jnp.float32) * 0.1
    conv1_b = jnp.zeros((C,), jnp.float32)
    bn1_g = jnp.ones((C,), jnp.float32)
    bn1_b = jnp.zeros((C,), jnp.float32)
    conv2_w = jax.random.normal(ks[5], (C, C, 7), dtype=jnp.float32) * 0.1
    conv2_b = jnp.zeros((C,), jnp.float32)
    bn2_g = jnp.ones((C,), jnp.float32)
    bn2_b = jnp.zeros((C,), jnp.float32)
    W1 = jax.random.normal(ks[6], (FEAT, FEAT), dtype=jnp.float32) / np.sqrt(FEAT)
    a_src1 = jax.random.normal(ks[7], (FEAT,), dtype=jnp.float32) * 0.1
    a_dst1 = jax.random.normal(ks[8], (FEAT,), dtype=jnp.float32) * 0.1
    b1 = jnp.zeros((FEAT,), jnp.float32)
    W2 = jax.random.normal(ks[9], (FEAT, FEAT), dtype=jnp.float32) / np.sqrt(FEAT)
    a_src2 = jax.random.normal(ks[10], (FEAT,), dtype=jnp.float32) * 0.1
    a_dst2 = jax.random.normal(ks[11], (FEAT,), dtype=jnp.float32) * 0.1
    b2 = jnp.zeros((FEAT,), jnp.float32)
    return {"x": x, "edge_index": edge_index, "dtp": dtp, "dts": dts, "conv1_w": conv1_w, "conv1_b": conv1_b, "bn1_g": bn1_g, "bn1_b": bn1_b, "conv2_w": conv2_w, "conv2_b": conv2_b, "bn2_g": bn2_g, "bn2_b": bn2_b, "W1": W1, "a_src1": a_src1, "a_dst1": a_dst1, "b1": b1, "W2": W2, "a_src2": a_src2, "a_dst2": a_dst2, "b2": b2}


def reference(x, edge_index, dtp, dts, conv1_w, conv1_b, bn1_g, bn1_b, conv2_w, conv2_b, bn2_g, bn2_b, W1, a_src1, a_dst1, b1, W2, a_src2, a_dst2, b2):
    value = jax.nn.relu(_bn(_conv1d(x, conv1_w, conv1_b), bn1_g, bn1_b))
    value = jax.nn.relu(_bn(_conv1d(value, conv2_w, conv2_b), bn2_g, bn2_b))
    sp = (jax.lax.stop_gradient(dtp).reshape(-1) * 3072.0).astype(jnp.int32)
    ss = (jax.lax.stop_gradient(dts).reshape(-1) * 3072.0).astype(jnp.int32)
    roll = jax.vmap(lambda v, s: jnp.roll(v, s))
    t0 = roll(value[:, 0, :], sp)
    t1 = roll(value[:, 1, :], ss)
    temp_value = jnp.stack([t0, t1], axis=1)
    n = x.shape[0]
    loop = jnp.arange(n, dtype=edge_index.dtype)
    src = jnp.concatenate([edge_index[0], loop])
    dst = jnp.concatenate([edge_index[1], loop])
    o0 = _gat(t0, src, dst, W1, a_src1, a_dst1, b1)
    o1 = _gat(t1, src, dst, W2, a_src2, a_dst2, b2)
    out = jnp.stack([o0, o1], axis=1)
    r0 = roll(o0, -sp)
    r1 = roll(o1, -ss)
    out1 = jnp.stack([r0, r1], axis=1)
    return (out1, out, temp_value)

if __name__ == "__main__":
    import jax
    _d = setup_inputs()
    print(jax.jit(kernel)(*tuple(_d.values())))

</pallas_src>

<mosaic_0001>
module attributes {stable_mosaic.version = 14 : i64} {
  func.func @_dense_kernel(%arg0: i32, %arg1: memref<1024x128xf32, #tpu.memory_space<vmem>>, %arg2: memref<128x128xf32, #tpu.memory_space<vmem>>, %arg3: memref<128x128xf32, #tpu.memory_space<vmem>>, %arg4: memref<128x128xf32, #tpu.memory_space<vmem>>, %arg5: memref<1024x128xf32, #tpu.memory_space<vmem>>, %arg6: memref<1024x128xf32, #tpu.memory_space<vmem>>, %arg7: memref<1024x128xf32, #tpu.memory_space<vmem>>) attributes {dimension_semantics = [#tpu.dimension_semantics<arbitrary>], iteration_bounds = array<i64: 10>, scalar_prefetch = 0 : i64, scratch_operands = 0 : i64, tpu.core_type = #tpu.core_type<tc>, window_params = [{transform_indices = @transform_0, window_bounds = array<i64: 1024, 128>}, {pipeline_mode = #tpu.pipeline_mode<synchronous>, transform_indices = @transform_1, window_bounds = array<i64: 128, 128>}, {pipeline_mode = #tpu.pipeline_mode<synchronous>, transform_indices = @transform_2, window_bounds = array<i64: 128, 128>}, {pipeline_mode = #tpu.pipeline_mode<synchronous>, transform_indices = @transform_3, window_bounds = array<i64: 128, 128>}, {transform_indices = @transform_4, window_bounds = array<i64: 1024, 128>}, {transform_indices = @transform_5, window_bounds = array<i64: 1024, 128>}, {transform_indices = @transform_6, window_bounds = array<i64: 1024, 128>}]} {
    %get3A = arith.constant 0 : index
    %get3A_0 = arith.constant 0 : index
    %get3A_1 = vector.load %arg1[%get3A, %get3A_0] : memref<1024x128xf32, #tpu.memory_space<vmem>>, vector<1024x128xf32>
    %get3A_2 = arith.constant 0 : index
    %get3A_3 = arith.constant 0 : index
    %get3A_4 = vector.load %arg2[%get3A_2, %get3A_3] : memref<128x128xf32, #tpu.memory_space<vmem>>, vector<128x128xf32>
    %dot_general3A = arith.constant dense<0.000000e+00> : vector<1024x128xf32>
    %dot_general3A_5 = tpu.matmul %get3A_1, %get3A_4, %dot_general3A {dimension_numbers = #tpu.dot_dimension_numbers<[1], [0], [0], [1], [0, 0, 1, 1], [], []>, transpose_lhs_hint = false} : vector<1024x128xf32>, vector<128x128xf32>, vector<1024x128xf32> -> vector<1024x128xf32>
    %swap3A = arith.constant 0 : index
    %swap3A_6 = arith.constant 0 : index
    %swap3A_7 = vector.load %arg5[%swap3A, %swap3A_6] : memref<1024x128xf32, #tpu.memory_space<vmem>>, vector<1024x128xf32>
    tpu.vector_store %arg5[%swap3A, %swap3A_6], %dot_general3A_5 {strides = array<i32>} : memref<1024x128xf32, #tpu.memory_space<vmem>>, vector<1024x128xf32>,
    %get3A_8 = arith.constant 0 : index
    %get3A_9 = arith.constant 0 : index
    %get3A_10 = vector.load %arg3[%get3A_8, %get3A_9] : memref<128x128xf32, #tpu.memory_space<vmem>>, vector<128x128xf32>
    %dot_general3A_11 = arith.constant dense<0.000000e+00> : vector<1024x128xf32>
    %dot_general3A_12 = tpu.matmul %dot_general3A_5, %get3A_10, %dot_general3A_11 {dimension_numbers = #tpu.dot_dimension_numbers<[1], [0], [0], [1], [0, 0, 1, 1], [], []>, transpose_lhs_hint = false} : vector<1024x128xf32>, vector<128x128xf32>, vector<1024x128xf32> -> vector<1024x128xf32>
    %swap3A_13 = arith.constant 0 : index
    %swap3A_14 = arith.constant 0 : index
    %swap3A_15 = vector.load %arg6[%swap3A_13, %swap3A_14] : memref<1024x128xf32, #tpu.memory_space<vmem>>, vector<1024x128xf32>
    tpu.vector_store %arg6[%swap3A_13, %swap3A_14], %dot_general3A_12 {strides = array<i32>} : memref<1024x128xf32, #tpu.memory_space<vmem>>, vector<1024x128xf32>,
    %get3A_16 = arith.constant 0 : index
    %get3A_17 = arith.constant 0 : index
    %get3A_18 = vector.load %arg4[%get3A_16, %get3A_17] : memref<128x128xf32, #tpu.memory_space<vmem>>, vector<128x128xf32>
    %dot_general3A_19 = arith.constant dense<0.000000e+00> : vector<1024x128xf32>
    %dot_general3A_20 = tpu.matmul %dot_general3A_5, %get3A_18, %dot_general3A_19 {dimension_numbers = #tpu.dot_dimension_numbers<[1], [0], [0], [1], [0, 0, 1, 1], [], []>, transpose_lhs_hint = false} : vector<1024x128xf32>, vector<128x128xf32>, vector<1024x128xf32> -> vector<1024x128xf32>
    %swap3A_21 = arith.constant 0 : index
    %swap3A_22 = arith.constant 0 : index
    %swap3A_23 = vector.load %arg7[%swap3A_21, %swap3A_22] : memref<1024x128xf32, #tpu.memory_space<vmem>>, vector<1024x128xf32>
    tpu.vector_store %arg7[%swap3A_21, %swap3A_22], %dot_general3A_20 {strides = array<i32>} : memref<1024x128xf32, #tpu.memory_space<vmem>>, vector<1024x128xf32>,
    return
  }
  func.func @transform_0(%arg0: i32) -> (i32, i32) {
    %c0_i32 = arith.constant 0 : i32
    %c0_i32_0 = arith.constant 0 : i32
    return %arg0, %c0_i32 : i32, i32
  }
  func.func @transform_1(%arg0: i32) -> (i32, i32) {
    %c0_i32 = arith.constant 0 : i32
    %c0_i32_0 = arith.constant 0 : i32
    %c0_i32_1 = arith.constant 0 : i32
    return %c0_i32, %c0_i32_0 : i32, i32
  }
  func.func @transform_2(%arg0: i32) -> (i32, i32) {
    %c0_i32 = arith.constant 0 : i32
    %c0_i32_0 = arith.constant 0 : i32
    %c0_i32_1 = arith.constant 0 : i32
    return %c0_i32, %c0_i32_0 : i32, i32
  }
  func.func @transform_3(%arg0: i32) -> (i32, i32) {
    %c0_i32 = arith.constant 0 : i32
    %c0_i32_0 = arith.constant 0 : i32
    %c0_i32_1 = arith.constant 0 : i32
    return %c0_i32, %c0_i32_0 : i32, i32
  }
  func.func @transform_4(%arg0: i32) -> (i32, i32) {
    %c0_i32 = arith.constant 0 : i32
    %c0_i32_0 = arith.constant 0 : i32
    return %arg0, %c0_i32 : i32, i32
  }
  func.func @transform_5(%arg0: i32) -> (i32, i32) {
    %c0_i32 = arith.constant 0 : i32
    %c0_i32_0 = arith.constant 0 : i32
    return %arg0, %c0_i32 : i32, i32
  }
  func.func @transform_6(%arg0: i32) -> (i32, i32) {
    %c0_i32 = arith.constant 0 : i32
    %c0_i32_0 = arith.constant 0 : i32
    return %arg0, %c0_i32 : i32, i32
  }
}

module attributes {stable_mosaic.version = 14 : i64} {
  func.func @_scatter_kernel(%arg0: i32, %arg1: memref<1x1x2048xi32, #tpu.memory_space<smem>>, %arg2: memref<1x1x2048xi32, #tpu.memory_space<smem>>, %arg3: memref<10240x128xf32, #tpu.memory_space<vmem>>, %arg4: memref<10240x128xf32, #tpu.memory_space<vmem>>, %arg5: memref<10240x128xf32, #tpu.memory_space<vmem>>, %arg6: memref<10240x128xf32, #tpu.memory_space<vmem>>, %arg7: memref<10240x128xf32, #tpu.memory_space<vmem>>) attributes {dimension_semantics = [#tpu.dimension_semantics<arbitrary>], iteration_bounds = array<i64: 162>, scalar_prefetch = 0 : i64, scratch_operands = 0 : i64, tpu.core_type = #tpu.core_type<tc>, window_params = [{transform_indices = @transform_0, window_bounds = array<i64: 1, 1, 2048>}, {transform_indices = @transform_1, window_bounds = array<i64: 1, 1, 2048>}, {pipeline_mode = #tpu.pipeline_mode<synchronous>, transform_indices = @transform_2, window_bounds = array<i64: 10240, 128>}, {pipeline_mode = #tpu.pipeline_mode<synchronous>, transform_indices = @transform_3, window_bounds = array<i64: 10240, 128>}, {pipeline_mode = #tpu.pipeline_mode<synchronous>, transform_indices = @transform_4, window_bounds = array<i64: 10240, 128>}, {pipeline_mode = #tpu.pipeline_mode<synchronous>, transform_indices = @transform_5, window_bounds = array<i64: 10240, 128>}, {pipeline_mode = #tpu.pipeline_mode<synchronous>, transform_indices = @transform_6, window_bounds = array<i64: 10240, 128>}]} {
    %eq3A = arith.constant 0 : i32
    %eq3A_0 = arith.cmpi eq, %arg0, %eq3A : i32
    %convert_element_type3A = arith.extui %eq3A_0 : i1 to i32
    %cond3A = arith.constant 0 : i32
    %cond3A_1 = arith.cmpi ne, %convert_element_type3A, %cond3A : i32
    scf.if %cond3A_1 {
      %broadcast_in_dim3A = arith.constant 0.000000e+00 : f32
      %broadcast_in_dim3A_6 = vector.broadcast %broadcast_in_dim3A : f32 to vector<10240x128xf32>
      %swap3A = arith.constant 0 : index
      %swap3A_7 = arith.constant 0 : index
      %swap3A_8 = vector.load %arg6[%swap3A, %swap3A_7] : memref<10240x128xf32, #tpu.memory_space<vmem>>, vector<10240x128xf32>
      tpu.vector_store %arg6[%swap3A, %swap3A_7], %broadcast_in_dim3A_6 {strides = array<i32>} : memref<10240x128xf32, #tpu.memory_space<vmem>>, vector<10240x128xf32>,
      %broadcast_in_dim3A_9 = arith.constant 0.000000e+00 : f32
      %broadcast_in_dim3A_10 = vector.broadcast %broadcast_in_dim3A_9 : f32 to vector<10240x128xf32>
      %swap3A_11 = arith.constant 0 : index
      %swap3A_12 = arith.constant 0 : index
      %swap3A_13 = vector.load %arg7[%swap3A_11, %swap3A_12] : memref<10240x128xf32, #tpu.memory_space<vmem>>, vector<10240x128xf32>
      tpu.vector_store %arg7[%swap3A_11, %swap3A_12], %broadcast_in_dim3A_10 {strides = array<i32>} : memref<10240x128xf32, #tpu.memory_space<vmem>>, vector<10240x128xf32>,
    } else {
    }
    %scan3A = arith.constant 0 : i32
    %scan3A_2 = arith.constant 2048 : i32
    %scan3A_3 = arith.addi %scan3A, %scan3A_2 : i32
    %scan3A_4 = arith.constant 16 : i32
    scf.for %scan3A_6 = %scan3A to %scan3A_3 step %scan3A_4  : i32 {
      %get3A = arith.constant 0 : index
      %get3A_7 = arith.constant 0 : index
      %get3A_8 = arith.index_cast %scan3A_6 : i32 to index
      %get3A_9 = memref.load %arg1[%get3A, %get3A_7, %get3A_8] : memref<1x1x2048xi32, #tpu.memory_space<smem>>
      %get3A_10 = arith.constant 0 : index
      %get3A_11 = arith.constant 0 : index
      %get3A_12 = arith.index_cast %scan3A_6 : i32 to index
      %get3A_13 = memref.load %arg2[%get3A_10, %get3A_11, %get3A_12] : memref<1x1x2048xi32, #tpu.memory_space<smem>>
      %get3A_14 = arith.index_cast %get3A_9 : i32 to index
      %get3A_15 = arith.constant 0 : index
      %get3A_16 = vector.load %arg3[%get3A_14, %get3A_15] : memref<10240x128xf32, #tpu.memory_space<vmem>>, vector<1x128xf32>
      %get3A_17 = arith.index_cast %get3A_13 : i32 to index
      %get3A_18 = arith.constant 0 : index
      %get3A_19 = vector.load %arg4[%get3A_17, %get3A_18] : memref<10240x128xf32, #tpu.memory_space<vmem>>, vector<1x128xf32>
      %add3A = arith.addf %get3A_16, %get3A_19 : vector<1x128xf32>
      %mul3A = arith.constant 2.000000e-01 : f32
      %mul3A_20 = vector.broadcast %mul3A : f32 to vector<1x128xf32>
      %mul3A_21 = arith.mulf %mul3A_20, %add3A : vector<1x128xf32>
      %max3A = arith.maximumf %add3A, %mul3A_21 : vector<1x128xf32>
      %exp3A = math.exp %max3A : vector<1x128xf32>
      %get3A_22 = arith.index_cast %get3A_13 : i32 to index
      %get3A_23 = arith.constant 0 : index
      %get3A_24 = vector.load %arg6[%get3A_22, %get3A_23] : memref<10240x128xf32, #tpu.memory_space<vmem>>, vector<1x128xf32>
      %add3A_25 = arith.addf %get3A_24, %exp3A : vector<1x128xf32>
      %swap3A = arith.index_cast %get3A_13 : i32 to index
      %swap3A_26 = arith.constant 0 : index
      %swap3A_27 = vector.load %arg6[%swap3A, %swap3A_26] : memref<10240x128xf32, #tpu.memory_space<vmem>>, vector<1x128xf32>
      tpu.vector_store %arg6[%swap3A, %swap3A_26], %add3A_25 {strides = array<i32>} : memref<10240x128xf32, #tpu.memory_space<vmem>>, vector<1x128xf32>,
      %get3A_28 = arith.index_cast %get3A_13 : i32 to index
      %get3A_29 = arith.constant 0 : index
      %get3A_30 = vector.load %arg7[%get3A_28, %get3A_29] : memref<10240x128xf32, #tpu.memory_space<vmem>>, vector<1x128xf32>
      %get3A_31 = arith.index_cast %get3A_9 : i32 to index
      %get3A_32 = arith.constant 0 : index
      %get3A_33 = vector.load %arg5[%get3A_31, %get3A_32] : memref<10240x128xf32, #tpu.memory_space<vmem>>, vector<1x128xf32>
      %mul3A_34 = arith.mulf %exp3A, %get3A_33 : vector<1x128xf32>
      %add3A_35 = arith.addf %get3A_30, %mul3A_34 : vector<1x128xf32>
      %swap3A_36 = arith.index_cast %get3A_13 : i32 to index
      %swap3A_37 = arith.constant 0 : index
      %swap3A_38 = vector.load %arg7[%swap3A_36, %swap3A_37] : memref<10240x128xf32, #tpu.memory_space<vmem>>, vector<1x128xf32>
      tpu.vector_store %arg7[%swap3A_36, %swap3A_37], %add3A_35 {strides = array<i32>} : memref<10240x128xf32, #tpu.memory_space<vmem>>, vector<1x128xf32>,
      %scan3A_39 = arith.constant 1 : i32
      %scan3A_40 = arith.addi %scan3A_6, %scan3A_39 : i32
      %get3A_41 = arith.constant 0 : index
      %get3A_42 = arith.constant 0 : index
      %get3A_43 = arith.index_cast %scan3A_40 : i32 to index
      %get3A_44 = memref.load %arg1[%get3A_41, %get3A_42, %get3A_43] : memref<1x1x2048xi32, #tpu.memory_space<smem>>
      %get3A_45 = arith.constant 0 : index
      %get3A_46 = arith.constant 0 : index
      %get3A_47 = arith.index_cast %scan3A_40 : i32 to index
      %get3A_48 = memref.load %arg2[%get3A_45, %get3A_46, %get3A_47] : memref<1x1x2048xi32, #tpu.memory_space<smem>>
      %get3A_49 = arith.index_cast %get3A_44 : i32 to index
      %get3A_50 = arith.constant 0 : index
      %get3A_51 = vector.load %arg3[%get3A_49, %get3A_50] : memref<10240x128xf32, #tpu.memory_space<vmem>>, vector<1x128xf32>
      %get3A_52 = arith.index_cast %get3A_48 : i32 to index
      %get3A_53 = arith.constant 0 : index
      %get3A_54 = vector.load %arg4[%get3A_52, %get3A_53] : memref<10240x128xf32, #tpu.memory_space<vmem>>, vector<1x128xf32>
      %add3A_55 = arith.addf %get3A_51, %get3A_54 : vector<1x128xf32>
      %mul3A_56 = arith.constant 2.000000e-01 : f32
      %mul3A_57 = vector.broadcast %mul3A_56 : f32 to vector<1x128xf32>
      %mul3A_58 = arith.mulf %mul3A_57, %add3A_55 : vector<1x128xf32>
      %max3A_59 = arith.maximumf %add3A_55, %mul3A_58 : vector<1x128xf32>
      %exp3A_60 = math.exp %max3A_59 : vector<1x128xf32>
      %get3A_61 = arith.index_cast %get3A_48 : i32 to index
      %get3A_62 = arith.constant 0 : index
      %get3A_63 = vector.load %arg6[%get3A_61, %get3A_62] : memref<10240x128xf32, #tpu.memory_space<vmem>>, vector<1x128xf32>
      %add3A_64 = arith.addf %get3A_63, %exp3A_60 : vector<1x128xf32>
      %swap3A_65 = arith.index_cast %get3A_48 : i32 to index
      %swap3A_66 = arith.constant 0 : index
      %swap3A_67 = vector.load %arg6[%swap3A_65, %swap3A_66] : memref<10240x128xf32, #tpu.memory_space<vmem>>, vector<1x128xf32>
      tpu.vector_store %arg6[%swap3A_65, %swap3A_66], %add3A_64 {strides = array<i32>} : memref<10240x128xf32, #tpu.memory_space<vmem>>, vector<1x128xf32>,
      %get3A_68 = arith.index_cast %get3A_48 : i32 to index
      %get3A_69 = arith.constant 0 : index
      %get3A_70 = vector.load %arg7[%get3A_68, %get3A_69] : memref<10240x128xf32, #tpu.memory_space<vmem>>, vector<1x128xf32>
      %get3A_71 = arith.index_cast %get3A_44 : i32 to index
      %get3A_72 = arith.constant 0 : index
      %get3A_73 = vector.load %arg5[%get3A_71, %get3A_72] : memref<10240x128xf32, #tpu.memory_space<vmem>>, vector<1x128xf32>
      %mul3A_74 = arith.mulf %exp3A_60, %get3A_73 : vector<1x128xf32>
      %add3A_75 = arith.addf %get3A_70, %mul3A_74 : vector<1x128xf32>
      %swap3A_76 = arith.index_cast %get3A_48 : i32 to index
      %swap3A_77 = arith.constant 0 : index
      %swap3A_78 = vector.load %arg7[%swap3A_76, %swap3A_77] : memref<10240x128xf32, #tpu.memory_space<vmem>>, vector<1x128xf32>
      tpu.vector_store %arg7[%swap3A_76, %swap3A_77], %add3A_75 {strides = array<i32>} : memref<10240x128xf32, #tpu.memory_space<vmem>>, vector<1x128xf32>,
      %scan3A_79 = arith.constant 2 : i32
      %scan3A_80 = arith.addi %scan3A_6, %scan3A_79 : i32
      %get3A_81 = arith.constant 0 : index
      %get3A_82 = arith.constant 0 : index
      %get3A_83 = arith.index_cast %scan3A_80 : i32 to index
      %get3A_84 = memref.load %arg1[%get3A_81, %get3A_82, %get3A_83] : memref<1x1x2048xi32, #tpu.memory_space<smem>>
      %get3A_85 = arith.constant 0 : index
      %get3A_86 = arith.constant 0 : index
      %get3A_87 = arith.index_cast %scan3A_80 : i32 to index
      %get3A_88 = memref.load %arg2[%get3A_85, %get3A_86, %get3A_87] : memref<1x1x2048xi32, #tpu.memory_space<smem>>
      %get3A_89 = arith.index_cast %get3A_84 : i32 to index
      %get3A_90 = arith.constant 0 : index
      %get3A_91 = vector.load %arg3[%get3A_89, %get3A_90] : memref<10240x128xf32, #tpu.memory_space<vmem>>, vector<1x128xf32>
      %get3A_92 = arith.index_cast %get3A_88 : i32 to index
      %get3A_93 = arith.constant 0 : index
      %get3A_94 = vector.load %arg4[%get3A_92, %get3A_93] : memref<10240x128xf32, #tpu.memory_space<vmem>>, vector<1x128xf32>
      %add3A_95 = arith.addf %get3A_91, %get3A_94 : vector<1x128xf32>
      %mul3A_96 = arith.constant 2.000000e-01 : f32
      %mul3A_97 = vector.broadcast %mul3A_96 : f32 to vector<1x128xf32>
      %mul3A_98 = arith.mulf %mul3A_97, %add3A_95 : vector<1x128xf32>
      %max3A_99 = arith.maximumf %add3A_95, %mul3A_98 : vector<1x128xf32>
      %exp3A_100 = math.exp %max3A_99 : vector<1x128xf32>
      %get3A_101 = arith.index_cast %get3A_88 : i32 to index
      %get3A_102 = arith.constant 0 : index
      %get3A_103 = vector.load %arg6[%get3A_101, %get3A_102] : memref<10240x128xf32, #tpu.memory_space<vmem>>, vector<1x128xf32>
      %add3A_104 = arith.addf %get3A_103, %exp3A_100 : vector<1x128xf32>
      %swap3A_105 = arith.index_cast %get3A_88 : i32 to index
      %swap3A_106 = arith.constant 0 : index
      %swap3A_107 = vector.load %arg6[%swap3A_105, %swap3A_106] : memref<10240x128xf32, #tpu.memory_space<vmem>>, vector<1x128xf32>
      tpu.vector_store %arg6[%swap3A_105, %swap3A_106], %add3A_104 {strides = array<i32>} : memref<10240x128xf32, #tpu.memory_space<vmem>>, vector<1x128xf32>,
      %get3A_108 = arith.index_cast %get3A_88 : i32 to index
      %get3A_109 = arith.constant 0 : index
      %get3A_110 = vector.load %arg7[%get3A_108, %get3A_109] : memref<10240x128xf32, #tpu.memory_space<vmem>>, vector<1x128xf32>
      %get3A_111 = arith.index_cast %get3A_84 : i32 to index
      %get3A_112 = arith.constant 0 : index
      %get3A_113 = vector.load %arg5[%get3A_111, %get3A_112] : memref<10240x128xf32, #tpu.memory_space<vmem>>, vector<1x128xf32>
      %mul3A_114 = arith.mulf %exp3A_100, %get3A_113 : vector<1x128xf32>
      %add3A_115 = arith.addf %get3A_110, %mul3A_114 : vector<1x128xf32>
      %swap3A_116 = arith.index_cast %get3A_88 : i32 to index
      %swap3A_117 = arith.constant 0 : index
      %swap3A_118 = vector.load %arg7[%swap3A_116, %swap3A_117] : memref<10240x128xf32, #tpu.memory_space<vmem>>, vector<1x128xf32>
      tpu.vector_store %arg7[%swap3A_116, %swap3A_117], %add3A_115 {strides = array<i32>} : memref<10240x128xf32, #tpu.memory_space<vmem>>, vector<1x128xf32>,
      %scan3A_119 = arith.constant 3 : i32
      %scan3A_120 = arith.addi %scan3A_6, %scan3A_119 : i32
      %get3A_121 = arith.constant 0 : index
      %get3A_122 = arith.constant 0 : index
      %get3A_123 = arith.index_cast %scan3A_120 : i32 to index
      %get3A_124 = memref.load %arg1[%get3A_121, %get3A_122, %get3A_123] : memref<1x1x2048xi32, #tpu.memory_space<smem>>
      %get3A_125 = arith.constant 0 : index
      %get3A_126 = arith.constant 0 : index
      %get3A_127 = arith.index_cast %scan3A_120 : i32 to index
      %get3A_128 = memref.load %arg2[%get3A_125, %get3A_126, %get3A_127] : memref<1x1x2048xi32, #tpu.memory_space<smem>>
      %get3A_129 = arith.index_cast %get3A_124 : i32 to index
      %get3A_130 = arith.constant 0 : index
      %get3A_131 = vector.load %arg3[%get3A_129, %get3A_130] : memref<10240x128xf32, #tpu.memory_space<vmem>>, vector<1x128xf32>
      %get3A_132 = arith.index_cast %get3A_128 : i32 to index
      %get3A_133 = arith.constant 0 : index
      %get3A_134 = vector.load %arg4[%get3A_132, %get3A_133] : memref<10240x128xf32, #tpu.memory_space<vmem>>, vector<1x128xf32>
      %add3A_135 = arith.addf %get3A_131, %get3A_134 : vector<1x128xf32>
      %mul3A_136 = arith.constant 2.000000e-01 : f32
      %mul3A_137 = vector.broadcast %mul3A_136 : f32 to vector<1x128xf32>
      %mul3A_138 = arith.mulf %mul3A_137, %add3A_135 : vector<1x128xf32>
      %max3A_139 = arith.maximumf %add3A_135, %mul3A_138 : vector<1x128xf32>
      %exp3A_140 = math.exp %max3A_139 : vector<1x128xf32>
      %get3A_141 = arith.index_cast %get3A_128 : i32 to index
      %get3A_142 = arith.constant 0 : index
      %get3A_143 = vector.load %arg6[%get3A_141, %get3A_142] : memref<10240x128xf32, #tpu.memory_space<vmem>>, vector<1x128xf32>
      %add3A_144 = arith.addf %get3A_143, %exp3A_140 : vector<1x128xf32>
      %swap3A_145 = arith.index_cast %get3A_128 : i32 to index
      %swap3A_146 = arith.constant 0 : index
      %swap3A_147 = vector.load %arg6[%swap3A_145, %swap3A_146] : memref<10240x128xf32, #tpu.memory_space<vmem>>, vector<1x128xf32>
      tpu.vector_store %arg6[%swap3A_145, %swap3A_146], %add3A_144 {strides = array<i32>} : memref<10240x128xf32, #tpu.memory_space<vmem>>, vector<1x128xf32>,
      %get3A_148 = arith.index_cast %get3A_128 : i32 to index
      %get3A_149 = arith.constant 0 : index
      %get3A_150 = vector.load %arg7[%get3A_148, %get3A_149] : memref<10240x128xf32, #tpu.memory_space<vmem>>, vector<1x128xf32>
      %get3A_151 = arith.index_cast %get3A_124 : i32 to index
      %get3A_152 = arith.constant 0 : index
      %get3A_153 = vector.load %arg5[%get3A_151, %get3A_152] : memref<10240x128xf32, #tpu.memory_space<vmem>>, vector<1x128xf32>
      %mul3A_154 = arith.mulf %exp3A_140, %get3A_153 : vector<1x128xf32>
      %add3A_155 = arith.addf %get3A_150, %mul3A_154 : vector<1x128xf32>
      %swap3A_156 = arith.index_cast %get3A_128 : i32 to index
      %swap3A_157 = arith.constant 0 : index
      %swap3A_158 = vector.load %arg7[%swap3A_156, %swap3A_157] : memref<10240x128xf32, #tpu.memory_space<vmem>>, vector<1x128xf32>
      tpu.vector_store %arg7[%swap3A_156, %swap3A_157], %add3A_155 {strides = array<i32>} : memref<10240x128xf32, #tpu.memory_space<vmem>>, vector<1x128xf32>,
      %scan3A_159 = arith.constant 4 : i32
      %scan3A_160 = arith.addi %scan3A_6, %scan3A_159 : i32
      %get3A_161 = arith.constant 0 : index
      %get3A_162 = arith.constant 0 : index
      %get3A_163 = arith.index_cast %scan3A_160 : i32 to index
      %get3A_164 = memref.load %arg1[%get3A_161, %get3A_162, %get3A_163] : memref<1x1x2048xi32, #tpu.memory_space<smem>>
      %get3A_165 = arith.constant 0 : index
      %get3A_166 = arith.constant 0 : index
      %get3A_167 = arith.index_cast %scan3A_160 : i32 to index
      %get3A_168 = memref.load %arg2[%get3A_165, %get3A_166, %get3A_167] : memref<1x1x2048xi32, #tpu.memory_space<smem>>
      %get3A_169 = arith.index_cast %get3A_164 : i32 to index
      %get3A_170 = arith.constant 0 : index
      %get3A_171 = vector.load %arg3[%get3A_169, %get3A_170] : memref<10240x128xf32, #tpu.memory_space<vmem>>, vector<1x128xf32>
      %get3A_172 = arith.index_cast %get3A_168 : i32 to index
      %get3A_173 = arith.constant 0 : index
      %get3A_174 = vector.load %arg4[%get3A_172, %get3A_173] : memref<10240x128xf32, #tpu.memory_space<vmem>>, vector<1x128xf32>
      %add3A_175 = arith.addf %get3A_171, %get3A_174 : vector<1x128xf32>
      %mul3A_176 = arith.constant 2.000000e-01 : f32
      %mul3A_177 = vector.broadcast %mul3A_176 : f32 to vector<1x128xf32>
      %mul3A_178 = arith.mulf %mul3A_177, %add3A_175 : vector<1x128xf32>
      %max3A_179 = arith.maximumf %add3A_175, %mul3A_178 : vector<1x128xf32>
      %exp3A_180 = math.exp %max3A_179 : vector<1x128xf32>
      %get3A_181 = arith.index_cast %get3A_168 : i32 to index
      %get3A_182 = arith.constant 0 : index
      %get3A_183 = vector.load %arg6[%get3A_181, %get3A_182] : memref<10240x128xf32, #tpu.memory_space<vmem>>, vector<1x128xf32>
      %add3A_184 = arith.addf %get3A_183, %exp3A_180 : vector<1x128xf32>
      %swap3A_185 = arith.index_cast %get3A_168 : i32 to index
      %swap3A_186 = arith.constant 0 : index
      %swap3A_187 = vector.load %arg6[%swap3A_185, %swap3A_186] : memref<10240x128xf32, #tpu.memory_space<vmem>>, vector<1x128xf32>
      tpu.vector_store %arg6[%swap3A_185, %swap3A_186], %add3A_184 {strides = array<i32>} : memref<10240x128xf32, #tpu.memory_space<vmem>>, vector<1x128xf32>,
      %get3A_188 = arith.index_cast %get3A_168 : i32 to index
      %get3A_189 = arith.constant 0 : index
      %get3A_190 = vector.load %arg7[%get3A_188, %get3A_189] : memref<10240x128xf32, #tpu.memory_space<vmem>>, vector<1x128xf32>
      %get3A_191 = arith.index_cast %get3A_164 : i32 to index
      %get3A_192 = arith.constant 0 : index
      %get3A_193 = vector.load %arg5[%get3A_191, %get3A_192] : memref<10240x128xf32, #tpu.memory_space<vmem>>, vector<1x128xf32>
      %mul3A_194 = arith.mulf %exp3A_180, %get3A_193 : vector<1x128xf32>
      %add3A_195 = arith.addf %get3A_190, %mul3A_194 : vector<1x128xf32>
      %swap3A_196 = arith.index_cast %get3A_168 : i32 to index
      %swap3A_197 = arith.constant 0 : index
      %swap3A_198 = vector.load %arg7[%swap3A_196, %swap3A_197] : memref<10240x128xf32, #tpu.memory_space<vmem>>, vector<1x128xf32>
      tpu.vector_store %arg7[%swap3A_196, %swap3A_197], %add3A_195 {strides = array<i32>} : memref<10240x128xf32, #tpu.memory_space<vmem>>, vector<1x128xf32>,
      %scan3A_199 = arith.constant 5 : i32
      %scan3A_200 = arith.addi %scan3A_6, %scan3A_199 : i32
      %get3A_201 = arith.constant 0 : index
      %get3A_202 = arith.constant 0 : index
      %get3A_203 = arith.index_cast %scan3A_200 : i32 to index
      %get3A_204 = memref.load %arg1[%get3A_201, %get3A_202, %get3A_203] : memref<1x1x2048xi32, #tpu.memory_space<smem>>
      %get3A_205 = arith.constant 0 : index
      %get3A_206 = arith.constant 0 : index
      %get3A_207 = arith.index_cast %scan3A_200 : i32 to index
      %get3A_208 = memref.load %arg2[%get3A_205, %get3A_206, %get3A_207] : memref<1x1x2048xi32, #tpu.memory_space<smem>>
      %get3A_209 = arith.index_cast %get3A_204 : i32 to index
      %get3A_210 = arith.constant 0 : index
      %get3A_211 = vector.load %arg3[%get3A_209, %get3A_210] : memref<10240x128xf32, #tpu.memory_space<vmem>>, vector<1x128xf32>
      %get3A_212 = arith.index_cast %get3A_208 : i32 to index
      %get3A_213 = arith.constant 0 : index
      %get3A_214 = vector.load %arg4[%get3A_212, %get3A_213] : memref<10240x128xf32, #tpu.memory_space<vmem>>, vector<1x128xf32>
      %add3A_215 = arith.addf %get3A_211, %get3A_214 : vector<1x128xf32>
      %mul3A_216 = arith.constant 2.000000e-01 : f32
      %mul3A_217 = vector.broadcast %mul3A_216 : f32 to vector<1x128xf32>
      %mul3A_218 = arith.mulf %mul3A_217, %add3A_215 : vector<1x128xf32>
      %max3A_219 = arith.maximumf %add3A_215, %mul3A_218 : vector<1x128xf32>
      %exp3A_220 = math.exp %max3A_219 : vector<1x128xf32>
      %get3A_221 = arith.index_cast %get3A_208 : i32 to index
      %get3A_222 = arith.constant 0 : index
      %get3A_223 = vector.load %arg6[%get3A_221, %get3A_222] : memref<10240x128xf32, #tpu.memory_space<vmem>>, vector<1x128xf32>
      %add3A_224 = arith.addf %get3A_223, %exp3A_220 : vector<1x128xf32>
      %swap3A_225 = arith.index_cast %get3A_208 : i32 to index
      %swap3A_226 = arith.constant 0 : index
      %swap3A_227 = vector.load %arg6[%swap3A_225, %swap3A_226] : memref<10240x128xf32, #tpu.memory_space<vmem>>, vector<1x128xf32>
      tpu.vector_store %arg6[%swap3A_225, %swap3A_226], %add3A_224 {strides = array<i32>} : memref<10240x128xf32, #tpu.memory_space<vmem>>, vector<1x128xf32>,
      %get3A_228 = arith.index_cast %get3A_208 : i32 to index
      %get3A_229 = arith.constant 0 : index
      %get3A_230 = vector.load %arg7[%get3A_228, %get3A_229] : memref<10240x128xf32, #tpu.memory_space<vmem>>, vector<1x128xf32>
      %get3A_231 = arith.index_cast %get3A_204 : i32 to index
      %get3A_232 = arith.constant 0 : index
      %get3A_233 = vector.load %arg5[%get3A_231, %get3A_232] : memref<10240x128xf32, #tpu.memory_space<vmem>>, vector<1x128xf32>
      %mul3A_234 = arith.mulf %exp3A_220, %get3A_233 : vector<1x128xf32>
      %add3A_235 = arith.addf %get3A_230, %mul3A_234 : vector<1x128xf32>
      %swap3A_236 = arith.index_cast %get3A_208 : i32 to index
      %swap3A_237 = arith.constant 0 : index
      %swap3A_238 = vector.load %arg7[%swap3A_236, %swap3A_237] : memref<10240x128xf32, #tpu.memory_space<vmem>>, vector<1x128xf32>
      tpu.vector_store %arg7[%swap3A_236, %swap3A_237], %add3A_235 {strides = array<i32>} : memref<10240x128xf32, #tpu.memory_space<vmem>>, vector<1x128xf32>,
      %scan3A_239 = arith.constant 6 : i32
      %scan3A_240 = arith.addi %scan3A_6, %scan3A_239 : i32
      %get3A_241 = arith.constant 0 : index
      %get3A_242 = arith.constant 0 : index
      %get3A_243 = arith.index_cast %scan3A_240 : i32 to index
      %get3A_244 = memref.load %arg1[%get3A_241, %get3A_242, %get3A_243] : memref<1x1x2048xi32, #tpu.memory_space<smem>>
      %get3A_245 = arith.constant 0 : index
      %get3A_246 = arith.constant 0 : index
      %get3A_247 = arith.index_cast %scan3A_240 : i32 to index
      %get3A_248 = memref.load %arg2[%get3A_245, %get3A_246, %get3A_247] : memref<1x1x2048xi32, #tpu.memory_space<smem>>
      %get3A_249 = arith.index_cast %get3A_244 : i32 to index
      %get3A_250 = arith.constant 0 : index
      %get3A_251 = vector.load %arg3[%get3A_249, %get3A_250] : memref<10240x128xf32, #tpu.memory_space<vmem>>, vector<1x128xf32>
      %get3A_252 = arith.index_cast %get3A_248 : i32 to index
      %get3A_253 = arith.constant 0 : index
      %get3A_254 = vector.load %arg4[%get3A_252, %get3A_253] : memref<10240x128xf32, #tpu.memory_space<vmem>>, vector<1x128xf32>
      %add3A_255 = arith.addf %get3A_251, %get3A_254 : vector<1x128xf32>
      %mul3A_256 = arith.constant 2.000000e-01 : f32
      %mul3A_257 = vector.broadcast %mul3A_256 : f32 to vector<1x128xf32>
      %mul3A_258 = arith.mulf %mul3A_257, %add3A_255 : vector<1x128xf32>
      %max3A_259 = arith.maximumf %add3A_255, %mul3A_258 : vector<1x128xf32>
      %exp3A_260 = math.exp %max3A_259 : vector<1x128xf32>
      %get3A_261 = arith.index_cast %get3A_248 : i32 to index
      %get3A_262 = arith.constant 0 : index
      %get3A_263 = vector.load %arg6[%get3A_261, %get3A_262] : memref<10240x128xf32, #tpu.memory_space<vmem>>, vector<1x128xf32>
      %add3A_264 = arith.addf %get3A_263, %exp3A_260 : vector<1x128xf32>
      %swap3A_265 = arith.index_cast %get3A_248 : i32 to index
      %swap3A_266 = arith.constant 0 : index
      %swap3A_267 = vector.load %arg6[%swap3A_265, %swap3A_266] : memref<10240x128xf32, #tpu.memory_space<vmem>>, vector<1x128xf32>
      tpu.vector_store %arg6[%swap3A_265, %swap3A_266], %add3A_264 {strides = array<i32>} : memref<10240x128xf32, #tpu.memory_space<vmem>>, vector<1x128xf32>,
      %get3A_268 = arith.index_cast %get3A_248 : i32 to index
      %get3A_269 = arith.constant 0 : index
      %get3A_270 = vector.load %arg7[%get3A_268, %get3A_269] : memref<10240x128xf32, #tpu.memory_space<vmem>>, vector<1x128xf32>
      %get3A_271 = arith.index_cast %get3A_244 : i32 to index
      %get3A_272 = arith.constant 0 : index
      %get3A_273 = vector.load %arg5[%get3A_271, %get3A_272] : memref<10240x128xf32, #tpu.memory_space<vmem>>, vector<1x128xf32>
      %mul3A_274 = arith.mulf %exp3A_260, %get3A_273 : vector<1x128xf32>
      %add3A_275 = arith.addf %get3A_270, %mul3A_274 : vector<1x128xf32>
      %swap3A_276 = arith.index_cast %get3A_248 : i32 to index
      %swap3A_277 = arith.constant 0 : index
      %swap3A_278 = vector.load %arg7[%swap3A_276, %swap3A_277] : memref<10240x128xf32, #tpu.memory_space<vmem>>, vector<1x128xf32>
      tpu.vector_store %arg7[%swap3A_276, %swap3A_277], %add3A_275 {strides = array<i32>} : memref<10240x128xf32, #tpu.memory_space<vmem>>, vector<1x128xf32>,
      %scan3A_279 = arith.constant 7 : i32
      %scan3A_280 = arith.addi %scan3A_6, %scan3A_279 : i32
      %get3A_281 = arith.constant 0 : index
      %get3A_282 = arith.constant 0 : index
      %get3A_283 = arith.index_cast %scan3A_280 : i32 to index
      %get3A_284 = memref.load %arg1[%get3A_281, %get3A_282, %get3A_283] : memref<1x1x2048xi32, #tpu.memory_space<smem>>
      %get3A_285 = arith.constant 0 : index
      %get3A_286 = arith.constant 0 : index
      %get3A_287 = arith.index_cast %scan3A_280 : i32 to index
      %get3A_288 = memref.load %arg2[%get3A_285, %get3A_286, %get3A_287] : memref<1x1x2048xi32, #tpu.memory_space<smem>>
      %get3A_289 = arith.index_cast %get3A_284 : i32 to index
      %get3A_290 = arith.constant 0 : index
      %get3A_291 = vector.load %arg3[%get3A_289, %get3A_290] : memref<10240x128xf32, #tpu.memory_space<vmem>>, vector<1x128xf32>
      %get3A_292 = arith.index_cast %get3A_288 : i32 to index
      %get3A_293 = arith.constant 0 : index
      %get3A_294 = vector.load %arg4[%get3A_292, %get3A_293] : memref<10240x128xf32, #tpu.memory_space<vmem>>, vector<1x128xf32>
      %add3A_295 = arith.addf %get3A_291, %get3A_294 : vector<1x128xf32>
      %mul3A_296 = arith.constant 2.000000e-01 : f32
      %mul3A_297 = vector.broadcast %mul3A_296 : f32 to vector<1x128xf32>
      %mul3A_298 = arith.mulf %mul3A_297, %add3A_295 : vector<1x128xf32>
      %max3A_299 = arith.maximumf %add3A_295, %mul3A_298 : vector<1x128xf32>
      %exp3A_300 = math.exp %max3A_299 : vector<1x128xf32>
      %get3A_301 = arith.index_cast %get3A_288 : i32 to index
      %get3A_302 = arith.constant 0 : index
      %get3A_303 = vector.load %arg6[%get3A_301, %get3A_302] : memref<10240x128xf32, #tpu.memory_space<vmem>>, vector<1x128xf32>
      %add3A_304 = arith.addf %get3A_303, %exp3A_300 : vector<1x128xf32>
      %swap3A_305 = arith.index_cast %get3A_288 : i32 to index
      %swap3A_306 = arith.constant 0 : index
      %swap3A_307 = vector.load %arg6[%swap3A_305, %swap3A_306] : memref<10240x128xf32, #tpu.memory_space<vmem>>, vector<1x128xf32>
      tpu.vector_store %arg6[%swap3A_305, %swap3A_306], %add3A_304 {strides = array<i32>} : memref<10240x128xf32, #tpu.memory_space<vmem>>, vector<1x128xf32>,
      %get3A_308 = arith.index_cast %get3A_288 : i32 to index
      %get3A_309 = arith.constant 0 : index
      %get3A_310 = vector.load %arg7[%get3A_308, %get3A_309] : memref<10240x128xf32, #tpu.memory_space<vmem>>, vector<1x128xf32>
      %get3A_311 = arith.index_cast %get3A_284 : i32 to index
      %get3A_312 = arith.constant 0 : index
      %get3A_313 = vector.load %arg5[%get3A_311, %get3A_312] : memref<10240x128xf32, #tpu.memory_space<vmem>>, vector<1x128xf32>
      %mul3A_314 = arith.mulf %exp3A_300, %get3A_313 : vector<1x128xf32>
      %add3A_315 = arith.addf %get3A_310, %mul3A_314 : vector<1x128xf32>
      %swap3A_316 = arith.index_cast %get3A_288 : i32 to index
      %swap3A_317 = arith.constant 0 : index
      %swap3A_318 = vector.load %arg7[%swap3A_316, %swap3A_317] : memref<10240x128xf32, #tpu.memory_space<vmem>>, vector<1x128xf32>
      tpu.vector_store %arg7[%swap3A_316, %swap3A_317], %add3A_315 {strides = array<i32>} : memref<10240x128xf32, #tpu.memory_space<vmem>>, vector<1x128xf32>,
      %scan3A_319 = arith.constant 8 : i32
      %scan3A_320 = arith.addi %scan3A_6, %scan3A_319 : i32
      %get3A_321 = arith.constant 0 : index
      %get3A_322 = arith.constant 0 : index
      %get3A_323 = arith.index_cast %scan3A_320 : i32 to index
      %get3A_324 = memref.load %arg1[%get3A_321, %get3A_322, %get3A_323] : memref<1x1x2048xi32, #tpu.memory_space<smem>>
      %get3A_325 = arith.constant 0 : index
      %get3A_326 = arith.constant 0 : index
      %get3A_327 = arith.index_cast %scan3A_320 : i32 to index
      %get3A_328 = memref.load %arg2[%get3A_325, %get3A_326, %get3A_327] : memref<1x1x2048xi32, #tpu.memory_space<smem>>
      %get3A_329 = arith.index_cast %get3A_324 : i32 to index
      %get3A_330 = arith.constant 0 : index
      %get3A_331 = vector.load %arg3[%get3A_329, %get3A_330] : memref<10240x128xf32, #tpu.memory_space<vmem>>, vector<1x128xf32>
      %get3A_332 = arith.index_cast %get3A_328 : i32 to index
      %get3A_333 = arith.constant 0 : index
      %get3A_334 = vector.load %arg4[%get3A_332, %get3A_333] : memref<10240x128xf32, #tpu.memory_space<vmem>>, vector<1x128xf32>
      %add3A_335 = arith.addf %get3A_331, %get3A_334 : vector<1x128xf32>
      %mul3A_336 = arith.constant 2.000000e-01 : f32
      %mul3A_337 = vector.broadcast %mul3A_336 : f32 to vector<1x128xf32>
      %mul3A_338 = arith.mulf %mul3A_337, %add3A_335 : vector<1x128xf32>
      %max3A_339 = arith.maximumf %add3A_335, %mul3A_338 : vector<1x128xf32>
      %exp3A_340 = math.exp %max3A_339 : vector<1x128xf32>
      %get3A_341 = arith.index_cast %get3A_328 : i32 to index
      %get3A_342 = arith.constant 0 : index
      %get3A_343 = vector.load %arg6[%get3A_341, %get3A_342] : memref<10240x128xf32, #tpu.memory_space<vmem>>, vector<1x128xf32>
      %add3A_344 = arith.addf %get3A_343, %exp3A_340 : vector<1x128xf32>
      %swap3A_345 = arith.index_cast %get3A_328 : i32 to index
      %swap3A_346 = arith.constant 0 : index
      %swap3A_347 = vector.load %arg6[%swap3A_345, %swap3A_346] : memref<10240x128xf32, #tpu.memory_space<vmem>>, vector<1x128xf32>
      tpu.vector_store %arg6[%swap3A_345, %swap3A_346], %add3A_344 {strides = array<i32>} : memref<10240x128xf32, #tpu.memory_space<vmem>>, vector<1x128xf32>,
      %get3A_348 = arith.index_cast %get3A_328 : i32 to index
      %get3A_349 = arith.constant 0 : index
      %get3A_350 = vector.load %arg7[%get3A_348, %get3A_349] : memref<10240x128xf32, #tpu.memory_space<vmem>>, vector<1x128xf32>
      %get3A_351 = arith.index_cast %get3A_324 : i32 to index
      %get3A_352 = arith.constant 0 : index
      %get3A_353 = vector.load %arg5[%get3A_351, %get3A_352] : memref<10240x128xf32, #tpu.memory_space<vmem>>, vector<1x128xf32>
      %mul3A_354 = arith.mulf %exp3A_340, %get3A_353 : vector<1x128xf32>
      %add3A_355 = arith.addf %get3A_350, %mul3A_354 : vector<1x128xf32>
      %swap3A_356 = arith.index_cast %get3A_328 : i32 to index
      %swap3A_357 = arith.constant 0 : index
      %swap3A_358 = vector.load %arg7[%swap3A_356, %swap3A_357] : memref<10240x128xf32, #tpu.memory_space<vmem>>, vector<1x128xf32>
      tpu.vector_store %arg7[%swap3A_356, %swap3A_357], %add3A_355 {strides = array<i32>} : memref<10240x128xf32, #tpu.memory_space<vmem>>, vector<1x128xf32>,
      %scan3A_359 = arith.constant 9 : i32
      %scan3A_360 = arith.addi %scan3A_6, %scan3A_359 : i32
      %get3A_361 = arith.constant 0 : index
      %get3A_362 = arith.constant 0 : index
      %get3A_363 = arith.index_cast %scan3A_360 : i32 to index
      %get3A_364 = memref.load %arg1[%get3A_361, %get3A_362, %get3A_363] : memref<1x1x2048xi32, #tpu.memory_space<smem>>
      %get3A_365 = arith.constant 0 : index
      %get3A_366 = arith.constant 0 : index
      %get3A_367 = arith.index_cast %scan3A_360 : i32 to index
      %get3A_368 = memref.load %arg2[%get3A_365, %get3A_366, %get3A_367] : memref<1x1x2048xi32, #tpu.memory_space<smem>>
      %get3A_369 = arith.index_cast %get3A_364 : i32 to index
      %get3A_370 = arith.constant 0 : index
      %get3A_371 = vector.load %arg3[%get3A_369, %get3A_370] : memref<10240x128xf32, #tpu.memory_space<vmem>>, vector<1x128xf32>
      %get3A_372 = arith.index_cast %get3A_368 : i32 to index
      %get3A_373 = arith.constant 0 : index
      %get3A_374 = vector.load %arg4[%get3A_372, %get3A_373] : memref<10240x128xf32, #tpu.memory_space<vmem>>, vector<1x128xf32>
      %add3A_375 = arith.addf %get3A_371, %get3A_374 : vector<1x128xf32>
      %mul3A_376 = arith.constant 2.000000e-01 : f32
      %mul3A_377 = vector.broadcast %mul3A_376 : f32 to vector<1x128xf32>
      %mul3A_378 = arith.mulf %mul3A_377, %add3A_375 : vector<1x128xf32>
      %max3A_379 = arith.maximumf %add3A_375, %mul3A_378 : vector<1x128xf32>
      %exp3A_380 = math.exp %max3A_379 : vector<1x128xf32>
      %get3A_381 = arith.index_cast %get3A_368 : i32 to index
      %get3A_382 = arith.constant 0 : index
      %get3A_383 = vector.load %arg6[%get3A_381, %get3A_382] : memref<10240x128xf32, #tpu.memory_space<vmem>>, vector<1x128xf32>
      %add3A_384 = arith.addf %get3A_383, %exp3A_380 : vector<1x128xf32>
      %swap3A_385 = arith.index_cast %get3A_368 : i32 to index
      %swap3A_386 = arith.constant 0 : index
      %swap3A_387 = vector.load %arg6[%swap3A_385, %swap3A_386] : memref<10240x128xf32, #tpu.memory_space<vmem>>, vector<1x128xf32>
      tpu.vector_store %arg6[%swap3A_385, %swap3A_386], %add3A_384 {strides = array<i32>} : memref<10240x128xf32, #tpu.memory_space<vmem>>, vector<1x128xf32>,
      %get3A_388 = arith.index_cast %get3A_368 : i32 to index
      %get3A_389 = arith.constant 0 : index
      %get3A_390 = vector.load %arg7[%get3A_388, %get3A_389] : memref<10240x128xf32, #tpu.memory_space<vmem>>, vector<1x128xf32>
      %get3A_391 = arith.index_cast %get3A_364 : i32 to index
      %get3A_392 = arith.constant 0 : index
      %get3A_393 = vector.load %arg5[%get3A_391, %get3A_392] : memref<10240x128xf32, #tpu.memory_space<vmem>>, vector<1x128xf32>
      %mul3A_394 = arith.mulf %exp3A_380, %get3A_393 : vector<1x128xf32>
      %add3A_395 = arith.addf %get3A_390, %mul3A_394 : vector<1x128xf32>
      %swap3A_396 = arith.index_cast %get3A_368 : i32 to index
      %swap3A_397 = arith.constant 0 : index
      %swap3A_398 = vector.load %arg7[%swap3A_396, %swap3A_397] : memref<10240x128xf32, #tpu.memory_space<vmem>>, vector<1x128xf32>
      tpu.vector_store %arg7[%swap3A_396, %swap3A_397], %add3A_395 {strides = array<i32>} : memref<10240x128xf32, #tpu.memory_space<vmem>>, vector<1x128xf32>,
      %scan3A_399 = arith.constant 10 : i32
      %scan3A_400 = arith.addi %scan3A_6, %scan3A_399 : i32
      %get3A_401 = arith.constant 0 : index
      %get3A_402 = arith.constant 0 : index
      %get3A_403 = arith.index_cast %scan3A_400 : i32 to index
      %get3A_404 = memref.load %arg1[%get3A_401, %get3A_402, %get3A_403] : memref<1x1x2048xi32, #tpu.memory_space<smem>>
      %get3A_405 = arith.constant 0 : index
      %get3A_406 = arith.constant 0 : index
      %get3A_407 = arith.index_cast %scan3A_400 : i32 to index
      %get3A_408 = memref.load %arg2[%get3A_405, %get3A_406, %get3A_407] : memref<1x1x2048xi32, #tpu.memory_space<smem>>
      %get3A_409 = arith.index_cast %get3A_404 : i32 to index
      %get3A_410 = arith.constant 0 : index
      %get3A_411 = vector.load %arg3[%get3A_409, %get3A_410] : memref<10240x128xf32, #tpu.memory_space<vmem>>, vector<1x128xf32>
      %get3A_412 = arith.index_cast %get3A_408 : i32 to index
      %get3A_413 = arith.constant 0 : index
      %get3A_414 = vector.load %arg4[%get3A_412, %get3A_413] : memref<10240x128xf32, #tpu.memory_space<vmem>>, vector<1x128xf32>
      %add3A_415 = arith.addf %get3A_411, %get3A_414 : vector<1x128xf32>
      %mul3A_416 = arith.constant 2.000000e-01 : f32
      %mul3A_417 = vector.broadcast %mul3A_416 : f32 to vector<1x128xf32>
      %mul3A_418 = arith.mulf %mul3A_417, %add3A_415 : vector<1x128xf32>
      %max3A_419 = arith.maximumf %add3A_415, %mul3A_418 : vector<1x128xf32>
      %exp3A_420 = math.exp %max3A_419 : vector<1x128xf32>
      %get3A_421 = arith.index_cast %get3A_408 : i32 to index
      %get3A_422 = arith.constant 0 : index
      %get3A_423 = vector.load %arg6[%get3A_421, %get3A_422] : memref<10240x128xf32, #tpu.memory_space<vmem>>, vector<1x128xf32>
      %add3A_424 = arith.addf %get3A_423, %exp3A_420 : vector<1x128xf32>
      %swap3A_425 = arith.index_cast %get3A_408 : i32 to index
      %swap3A_426 = arith.constant 0 : index
      %swap3A_427 = vector.load %arg6[%swap3A_425, %swap3A_426] : memref<10240x128xf32, #tpu.memory_space<vmem>>, vector<1x128xf32>
      tpu.vector_store %arg6[%swap3A_425, %swap3A_426], %add3A_424 {strides = array<i32>} : memref<10240x128xf32, #tpu.memory_space<vmem>>, vector<1x128xf32>,
      %get3A_428 = arith.index_cast %get3A_408 : i32 to index
      %get3A_429 = arith.constant 0 : index
      %get3A_430 = vector.load %arg7[%get3A_428, %get3A_429] : memref<10240x128xf32, #tpu.memory_space<vmem>>, vector<1x128xf32>
      %get3A_431 = arith.index_cast %get3A_404 : i32 to index
      %get3A_432 = arith.constant 0 : index
      %get3A_433 = vector.load %arg5[%get3A_431, %get3A_432] : memref<10240x128xf32, #tpu.memory_space<vmem>>, vector<1x128xf32>
      %mul3A_434 = arith.mulf %exp3A_420, %get3A_433 : vector<1x128xf32>
      %add3A_435 = arith.addf %get3A_430, %mul3A_434 : vector<1x128xf32>
      %swap3A_436 = arith.index_cast %get3A_408 : i32 to index
      %swap3A_437 = arith.constant 0 : index
      %swap3A_438 = vector.load %arg7[%swap3A_436, %swap3A_437] : memref<10240x128xf32, #tpu.memory_space<vmem>>, vector<1x128xf32>
      tpu.vector_store %arg7[%swap3A_436, %swap3A_437], %add3A_435 {strides = array<i32>} : memref<10240x128xf32, #tpu.memory_space<vmem>>, vector<1x128xf32>,
      %scan3A_439 = arith.constant 11 : i32
      %scan3A_440 = arith.addi %scan3A_6, %scan3A_439 : i32
      %get3A_441 = arith.constant 0 : index
      %get3A_442 = arith.constant 0 : index
      %get3A_443 = arith.index_cast %scan3A_440 : i32 to index
      %get3A_444 = memref.load %arg1[%get3A_441, %get3A_442, %get3A_443] : memref<1x1x2048xi32, #tpu.memory_space<smem>>
      %get3A_445 = arith.constant 0 : index
      %get3A_446 = arith.constant 0 : index
      %get3A_447 = arith.index_cast %scan3A_440 : i32 to index
      %get3A_448 = memref.load %arg2[%get3A_445, %get3A_446, %get3A_447] : memref<1x1x2048xi32, #tpu.memory_space<smem>>
      %get3A_449 = arith.index_cast %get3A_444 : i32 to index
      %get3A_450 = arith.constant 0 : index
      %get3A_451 = vector.load %arg3[%get3A_449, %get3A_450] : memref<10240x128xf32, #tpu.memory_space<vmem>>, vector<1x128xf32>
      %get3A_452 = arith.index_cast %get3A_448 : i32 to index
      %get3A_453 = arith.constant 0 : index
      %get3A_454 = vector.load %arg4[%get3A_452, %get3A_453] : memref<10240x128xf32, #tpu.memory_space<vmem>>, vector<1x128xf32>
      %add3A_455 = arith.addf %get3A_451, %get3A_454 : vector<1x128xf32>
      %mul3A_456 = arith.constant 2.000000e-01 : f32
      %mul3A_457 = vector.broadcast %mul3A_456 : f32 to vector<1x128xf32>
      %mul3A_458 = arith.mulf %mul3A_457, %add3A_455 : vector<1x128xf32>
      %max3A_459 = arith.maximumf %add3A_455, %mul3A_458 : vector<1x128xf32>
      %exp3A_460 = math.exp %max3A_459 : vector<1x128xf32>
      %get3A_461 = arith.index_cast %get3A_448 : i32 to index
      %get3A_462 = arith.constant 0 : index
      %get3A_463 = vector.load %arg6[%get3A_461, %get3A_462] : memref<10240x128xf32, #tpu.memory_space<vmem>>, vector<1x128xf32>
      %add3A_464 = arith.addf %get3A_463, %exp3A_460 : vector<1x128xf32>
      %swap3A_465 = arith.index_cast %get3A_448 : i32 to index
      %swap3A_466 = arith.constant 0 : index
      %swap3A_467 = vector.load %arg6[%swap3A_465, %swap3A_466] : memref<10240x128xf32, #tpu.memory_space<vmem>>, vector<1x128xf32>
      tpu.vector_store %arg6[%swap3A_465, %swap3A_466], %add3A_464 {strides = array<i32>} : memref<10240x128xf32, #tpu.memory_space<vmem>>, vector<1x128xf32>,
      %get3A_468 = arith.index_cast %get3A_448 : i32 to index
      %get3A_469 = arith.constant 0 : index
      %get3A_470 = vector.load %arg7[%get3A_468, %get3A_469] : memref<10240x128xf32, #tpu.memory_space<vmem>>, vector<1x128xf32>
      %get3A_471 = arith.index_cast %get3A_444 : i32 to index
      %get3A_472 = arith.constant 0 : index
      %get3A_473 = vector.load %arg5[%get3A_471, %get3A_472] : memref<10240x128xf32, #tpu.memory_space<vmem>>, vector<1x128xf32>
      %mul3A_474 = arith.mulf %exp3A_460, %get3A_473 : vector<1x128xf32>
      %add3A_475 = arith.addf %get3A_470, %mul3A_474 : vector<1x128xf32>
      %swap3A_476 = arith.index_cast %get3A_448 : i32 to index
      %swap3A_477 = arith.constant 0 : index
      %swap3A_478 = vector.load %arg7[%swap3A_476, %swap3A_477] : memref<10240x128xf32, #tpu.memory_space<vmem>>, vector<1x128xf32>
      tpu.vector_store %arg7[%swap3A_476, %swap3A_477], %add3A_475 {strides = array<i32>} : memref<10240x128xf32, #tpu.memory_space<vmem>>, vector<1x128xf32>,
      %scan3A_479 = arith.constant 12 : i32
      %scan3A_480 = arith.addi %scan3A_6, %scan3A_479 : i32
      %get3A_481 = arith.constant 0 : index
      %get3A_482 = arith.constant 0 : index
      %get3A_483 = arith.index_cast %scan3A_480 : i32 to index
      %get3A_484 = memref.load %arg1[%get3A_481, %get3A_482, %get3A_483] : memref<1x1x2048xi32, #tpu.memory_space<smem>>
      %get3A_485 = arith.constant 0 : index
      %get3A_486 = arith.constant 0 : index
      %get3A_487 = arith.index_cast %scan3A_480 : i32 to index
      %get3A_488 = memref.load %arg2[%get3A_485, %get3A_486, %get3A_487] : memref<1x1x2048xi32, #tpu.memory_space<smem>>
      %get3A_489 = arith.index_cast %get3A_484 : i32 to index
      %get3A_490 = arith.constant 0 : index
      %get3A_491 = vector.load %arg3[%get3A_489, %get3A_490] : memref<10240x128xf32, #tpu.memory_space<vmem>>, vector<1x128xf32>
      %get3A_492 = arith.index_cast %get3A_488 : i32 to index
      %get3A_493 = arith.constant 0 : index
      %get3A_494 = vector.load %arg4[%get3A_492, %get3A_493] : memref<10240x128xf32, #tpu.memory_space<vmem>>, vector<1x128xf32>
      %add3A_495 = arith.addf %get3A_491, %get3A_494 : vector<1x128xf32>
      %mul3A_496 = arith.constant 2.000000e-01 : f32
      %mul3A_497 = vector.broadcast %mul3A_496 : f32 to vector<1x128xf32>
      %mul3A_498 = arith.mulf %mul3A_497, %add3A_495 : vector<1x128xf32>
      %max3A_499 = arith.maximumf %add3A_495, %mul3A_498 : vector<1x128xf32>
      %exp3A_500 = math.exp %max3A_499 : vector<1x128xf32>
      %get3A_501 = arith.index_cast %get3A_488 : i32 to index
      %get3A_502 = arith.constant 0 : index
      %get3A_503 = vector.load %arg6[%get3A_501, %get3A_502] : memref<10240x128xf32, #tpu.memory_space<vmem>>, vector<1x128xf32>
      %add3A_504 = arith.addf %get3A_503, %exp3A_500 : vector<1x128xf32>
      %swap3A_505 = arith.index_cast %get3A_488 : i32 to index
      %swap3A_506 = arith.constant 0 : index
      %swap3A_507 = vector.load %arg6[%swap3A_505, %swap3A_506] : memref<10240x128xf32, #tpu.memory_space<vmem>>, vector<1x128xf32>
      tpu.vector_store %arg6[%swap3A_505, %swap3A_506], %add3A_504 {strides = array<i32>} : memref<10240x128xf32, #tpu.memory_space<vmem>>, vector<1x128xf32>,
      %get3A_508 = arith.index_cast %get3A_488 : i32 to index
      %get3A_509 = arith.constant 0 : index
      %get3A_510 = vector.load %arg7[%get3A_508, %get3A_509] : memref<10240x128xf32, #tpu.memory_space<vmem>>, vector<1x128xf32>
      %get3A_511 = arith.index_cast %get3A_484 : i32 to index
      %get3A_512 = arith.constant 0 : index
      %get3A_513 = vector.load %arg5[%get3A_511, %get3A_512] : memref<10240x128xf32, #tpu.memory_space<vmem>>, vector<1x128xf32>
      %mul3A_514 = arith.mulf %exp3A_500, %get3A_513 : vector<1x128xf32>
      %add3A_515 = arith.addf %get3A_510, %mul3A_514 : vector<1x128xf32>
      %swap3A_516 = arith.index_cast %get3A_488 : i32 to index
      %swap3A_517 = arith.constant 0 : index
      %swap3A_518 = vector.load %arg7[%swap3A_516, %swap3A_517] : memref<10240x128xf32, #tpu.memory_space<vmem>>, vector<1x128xf32>
      tpu.vector_store %arg7[%swap3A_516, %swap3A_517], %add3A_515 {strides = array<i32>} : memref<10240x128xf32, #tpu.memory_space<vmem>>, vector<1x128xf32>,
      %scan3A_519 = arith.constant 13 : i32
      %scan3A_520 = arith.addi %scan3A_6, %scan3A_519 : i32
      %get3A_521 = arith.constant 0 : index
      %get3A_522 = arith.constant 0 : index
      %get3A_523 = arith.index_cast %scan3A_520 : i32 to index
      %get3A_524 = memref.load %arg1[%get3A_521, %get3A_522, %get3A_523] : memref<1x1x2048xi32, #tpu.memory_space<smem>>
      %get3A_525 = arith.constant 0 : index
      %get3A_526 = arith.constant 0 : index
      %get3A_527 = arith.index_cast %scan3A_520 : i32 to index
      %get3A_528 = memref.load %arg2[%get3A_525, %get3A_526, %get3A_527] : memref<1x1x2048xi32, #tpu.memory_space<smem>>
      %get3A_529 = arith.index_cast %get3A_524 : i32 to index
      %get3A_530 = arith.constant 0 : index
      %get3A_531 = vector.load %arg3[%get3A_529, %get3A_530] : memref<10240x128xf32, #tpu.memory_space<vmem>>, vector<1x128xf32>
      %get3A_532 = arith.index_cast %get3A_528 : i32 to index
      %get3A_533 = arith.constant 0 : index
      %get3A_534 = vector.load %arg4[%get3A_532, %get3A_533] : memref<10240x128xf32, #tpu.memory_space<vmem>>, vector<1x128xf32>
      %add3A_535 = arith.addf %get3A_531, %get3A_534 : vector<1x128xf32>
      %mul3A_536 = arith.constant 2.000000e-01 : f32
      %mul3A_537 = vector.broadcast %mul3A_536 : f32 to vector<1x128xf32>
      %mul3A_538 = arith.mulf %mul3A_537, %add3A_535 : vector<1x128xf32>
      %max3A_539 = arith.maximumf %add3A_535, %mul3A_538 : vector<1x128xf32>
      %exp3A_540 = math.exp %max3A_539 : vector<1x128xf32>
      %get3A_541 = arith.index_cast %get3A_528 : i32 to index
      %get3A_542 = arith.constant 0 : index
      %get3A_543 = vector.load %arg6[%get3A_541, %get3A_542] : memref<10240x128xf32, #tpu.memory_space<vmem>>, vector<1x128xf32>
      %add3A_544 = arith.addf %get3A_543, %exp3A_540 : vector<1x128xf32>
      %swap3A_545 = arith.index_cast %get3A_528 : i32 to index
      %swap3A_546 = arith.constant 0 : index
      %swap3A_547 = vector.load %arg6[%swap3A_545, %swap3A_546] : memref<10240x128xf32, #tpu.memory_space<vmem>>, vector<1x128xf32>
      tpu.vector_store %arg6[%swap3A_545, %swap3A_546], %add3A_544 {strides = array<i32>} : memref<10240x128xf32, #tpu.memory_space<vmem>>, vector<1x128xf32>,
      %get3A_548 = arith.index_cast %get3A_528 : i32 to index
      %get3A_549 = arith.constant 0 : index
      %get3A_550 = vector.load %arg7[%get3A_548, %get3A_549] : memref<10240x128xf32, #tpu.memory_space<vmem>>, vector<1x128xf32>
      %get3A_551 = arith.index_cast %get3A_524 : i32 to index
      %get3A_552 = arith.constant 0 : index
      %get3A_553 = vector.load %arg5[%get3A_551, %get3A_552] : memref<10240x128xf32, #tpu.memory_space<vmem>>, vector<1x128xf32>
      %mul3A_554 = arith.mulf %exp3A_540, %get3A_553 : vector<1x128xf32>
      %add3A_555 = arith.addf %get3A_550, %mul3A_554 : vector<1x128xf32>
      %swap3A_556 = arith.index_cast %get3A_528 : i32 to index
      %swap3A_557 = arith.constant 0 : index
      %swap3A_558 = vector.load %arg7[%swap3A_556, %swap3A_557] : memref<10240x128xf32, #tpu.memory_space<vmem>>, vector<1x128xf32>
      tpu.vector_store %arg7[%swap3A_556, %swap3A_557], %add3A_555 {strides = array<i32>} : memref<10240x128xf32, #tpu.memory_space<vmem>>, vector<1x128xf32>,
      %scan3A_559 = arith.constant 14 : i32
      %scan3A_560 = arith.addi %scan3A_6, %scan3A_559 : i32
      %get3A_561 = arith.constant 0 : index
      %get3A_562 = arith.constant 0 : index
      %get3A_563 = arith.index_cast %scan3A_560 : i32 to index
      %get3A_564 = memref.load %arg1[%get3A_561, %get3A_562, %get3A_563] : memref<1x1x2048xi32, #tpu.memory_space<smem>>
      %get3A_565 = arith.constant 0 : index
      %get3A_566 = arith.constant 0 : index
      %get3A_567 = arith.index_cast %scan3A_560 : i32 to index
      %get3A_568 = memref.load %arg2[%get3A_565, %get3A_566, %get3A_567] : memref<1x1x2048xi32, #tpu.memory_space<smem>>
      %get3A_569 = arith.index_cast %get3A_564 : i32 to index
      %get3A_570 = arith.constant 0 : index
      %get3A_571 = vector.load %arg3[%get3A_569, %get3A_570] : memref<10240x128xf32, #tpu.memory_space<vmem>>, vector<1x128xf32>
      %get3A_572 = arith.index_cast %get3A_568 : i32 to index
      %get3A_573 = arith.constant 0 : index
      %get3A_574 = vector.load %arg4[%get3A_572, %get3A_573] : memref<10240x128xf32, #tpu.memory_space<vmem>>, vector<1x128xf32>
      %add3A_575 = arith.addf %get3A_571, %get3A_574 : vector<1x128xf32>
      %mul3A_576 = arith.constant 2.000000e-01 : f32
      %mul3A_577 = vector.broadcast %mul3A_576 : f32 to vector<1x128xf32>
      %mul3A_578 = arith.mulf %mul3A_577, %add3A_575 : vector<1x128xf32>
      %max3A_579 = arith.maximumf %add3A_575, %mul3A_578 : vector<1x128xf32>
      %exp3A_580 = math.exp %max3A_579 : vector<1x128xf32>
      %get3A_581 = arith.index_cast %get3A_568 : i32 to index
      %get3A_582 = arith.constant 0 : index
      %get3A_583 = vector.load %arg6[%get3A_581, %get3A_582] : memref<10240x128xf32, #tpu.memory_space<vmem>>, vector<1x128xf32>
      %add3A_584 = arith.addf %get3A_583, %exp3A_580 : vector<1x128xf32>
      %swap3A_585 = arith.index_cast %get3A_568 : i32 to index
      %swap3A_586 = arith.constant 0 : index
      %swap3A_587 = vector.load %arg6[%swap3A_585, %swap3A_586] : memref<10240x128xf32, #tpu.memory_space<vmem>>, vector<1x128xf32>
      tpu.vector_store %arg6[%swap3A_585, %swap3A_586], %add3A_584 {strides = array<i32>} : memref<10240x128xf32, #tpu.memory_space<vmem>>, vector<1x128xf32>,
      %get3A_588 = arith.index_cast %get3A_568 : i32 to index
      %get3A_589 = arith.constant 0 : index
      %get3A_590 = vector.load %arg7[%get3A_588, %get3A_589] : memref<10240x128xf32, #tpu.memory_space<vmem>>, vector<1x128xf32>
      %get3A_591 = arith.index_cast %get3A_564 : i32 to index
      %get3A_592 = arith.constant 0 : index
      %get3A_593 = vector.load %arg5[%get3A_591, %get3A_592] : memref<10240x128xf32, #tpu.memory_space<vmem>>, vector<1x128xf32>
      %mul3A_594 = arith.mulf %exp3A_580, %get3A_593 : vector<1x128xf32>
      %add3A_595 = arith.addf %get3A_590, %mul3A_594 : vector<1x128xf32>
      %swap3A_596 = arith.index_cast %get3A_568 : i32 to index
      %swap3A_597 = arith.constant 0 : index
      %swap3A_598 = vector.load %arg7[%swap3A_596, %swap3A_597] : memref<10240x128xf32, #tpu.memory_space<vmem>>, vector<1x128xf32>
      tpu.vector_store %arg7[%swap3A_596, %swap3A_597], %add3A_595 {strides = array<i32>} : memref<10240x128xf32, #tpu.memory_space<vmem>>, vector<1x128xf32>,
      %scan3A_599 = arith.constant 15 : i32
      %scan3A_600 = arith.addi %scan3A_6, %scan3A_599 : i32
      %get3A_601 = arith.constant 0 : index
      %get3A_602 = arith.constant 0 : index
      %get3A_603 = arith.index_cast %scan3A_600 : i32 to index
      %get3A_604 = memref.load %arg1[%get3A_601, %get3A_602, %get3A_603] : memref<1x1x2048xi32, #tpu.memory_space<smem>>
      %get3A_605 = arith.constant 0 : index
      %get3A_606 = arith.constant 0 : index
      %get3A_607 = arith.index_cast %scan3A_600 : i32 to index
      %get3A_608 = memref.load %arg2[%get3A_605, %get3A_606, %get3A_607] : memref<1x1x2048xi32, #tpu.memory_space<smem>>
      %get3A_609 = arith.index_cast %get3A_604 : i32 to index
      %get3A_610 = arith.constant 0 : index
      %get3A_611 = vector.load %arg3[%get3A_609, %get3A_610] : memref<10240x128xf32, #tpu.memory_space<vmem>>, vector<1x128xf32>
      %get3A_612 = arith.index_cast %get3A_608 : i32 to index
      %get3A_613 = arith.constant 0 : index
      %get3A_614 = vector.load %arg4[%get3A_612, %get3A_613] : memref<10240x128xf32, #tpu.memory_space<vmem>>, vector<1x128xf32>
      %add3A_615 = arith.addf %get3A_611, %get3A_614 : vector<1x128xf32>
      %mul3A_616 = arith.constant 2.000000e-01 : f32
      %mul3A_617 = vector.broadcast %mul3A_616 : f32 to vector<1x128xf32>
      %mul3A_618 = arith.mulf %mul3A_617, %add3A_615 : vector<1x128xf32>
      %max3A_619 = arith.maximumf %add3A_615, %mul3A_618 : vector<1x128xf32>
      %exp3A_620 = math.exp %max3A_619 : vector<1x128xf32>
      %get3A_621 = arith.index_cast %get3A_608 : i32 to index
      %get3A_622 = arith.constant 0 : index
      %get3A_623 = vector.load %arg6[%get3A_621, %get3A_622] : memref<10240x128xf32, #tpu.memory_space<vmem>>, vector<1x128xf32>
      %add3A_624 = arith.addf %get3A_623, %exp3A_620 : vector<1x128xf32>
      %swap3A_625 = arith.index_cast %get3A_608 : i32 to index
      %swap3A_626 = arith.constant 0 : index
      %swap3A_627 = vector.load %arg6[%swap3A_625, %swap3A_626] : memref<10240x128xf32, #tpu.memory_space<vmem>>, vector<1x128xf32>
      tpu.vector_store %arg6[%swap3A_625, %swap3A_626], %add3A_624 {strides = array<i32>} : memref<10240x128xf32, #tpu.memory_space<vmem>>, vector<1x128xf32>,
      %get3A_628 = arith.index_cast %get3A_608 : i32 to index
      %get3A_629 = arith.constant 0 : index
      %get3A_630 = vector.load %arg7[%get3A_628, %get3A_629] : memref<10240x128xf32, #tpu.memory_space<vmem>>, vector<1x128xf32>
      %get3A_631 = arith.index_cast %get3A_604 : i32 to index
      %get3A_632 = arith.constant 0 : index
      %get3A_633 = vector.load %arg5[%get3A_631, %get3A_632] : memref<10240x128xf32, #tpu.memory_space<vmem>>, vector<1x128xf32>
      %mul3A_634 = arith.mulf %exp3A_620, %get3A_633 : vector<1x128xf32>
      %add3A_635 = arith.addf %get3A_630, %mul3A_634 : vector<1x128xf32>
      %swap3A_636 = arith.index_cast %get3A_608 : i32 to index
      %swap3A_637 = arith.constant 0 : index
      %swap3A_638 = vector.load %arg7[%swap3A_636, %swap3A_637] : memref<10240x128xf32, #tpu.memory_space<vmem>>, vector<1x128xf32>
      tpu.vector_store %arg7[%swap3A_636, %swap3A_637], %add3A_635 {strides = array<i32>} : memref<10240x128xf32, #tpu.memory_space<vmem>>, vector<1x128xf32>,
    }
    %scan3A_5 = arith.constant 2048 : i32
    return
  }
  func.func @transform_0(%arg0: i32) -> (i32, i32, i32) {
    %c0_i32 = arith.constant 0 : i32
    %c0_i32_0 = arith.constant 0 : i32
    %c0_i32_1 = arith.constant 0 : i32
    return %arg0, %c0_i32, %c0_i32_0 : i32, i32, i32
  }
  func.func @transform_1(%arg0: i32) -> (i32, i32, i32) {
    %c0_i32 = arith.constant 0 : i32
    %c0_i32_0 = arith.constant 0 : i32
    %c0_i32_1 = arith.constant 0 : i32
    return %arg0, %c0_i32, %c0_i32_0 : i32, i32, i32
  }
  func.func @transform_2(%arg0: i32) -> (i32, i32) {
    %c0_i32 = arith.constant 0 : i32
    %c0_i32_0 = arith.constant 0 : i32
    %c0_i32_1 = arith.constant 0 : i32
    return %c0_i32, %c0_i32_0 : i32, i32
  }
  func.func @transform_3(%arg0: i32) -> (i32, i32) {
    %c0_i32 = arith.constant 0 : i32
    %c0_i32_0 = arith.constant 0 : i32
    %c0_i32_1 = arith.constant 0 : i32
    return %c0_i32, %c0_i32_0 : i32, i32
  }
  func.func @transform_4(%arg0: i32) -> (i32, i32) {
    %c0_i32 = arith.constant 0 : i32
    %c0_i32_0 = arith.constant 0 : i32
    %c0_i32_1 = arith.constant 0 : i32
    return %c0_i32, %c0_i32_0 : i32, i32
  }
  func.func @transform_5(%arg0: i32) -> (i32, i32) {
    %c0_i32 = arith.constant 0 : i32
    %c0_i32_0 = arith.constant 0 : i32
    %c0_i32_1 = arith.constant 0 : i32
    return %c0_i32, %c0_i32_0 : i32, i32
  }
  func.func @transform_6(%arg0: i32) -> (i32, i32) {
    %c0_i32 = arith.constant 0 : i32
    %c0_i32_0 = arith.constant 0 : i32
    %c0_i32_1 = arith.constant 0 : i32
    return %c0_i32, %c0_i32_0 : i32, i32
  }
}

</mosaic_0001>

<sc_bundles>
// kernel: gather_offload_async_start.1
scs
__scs_entry_jumppad:
0x0: {  	(pc) =	sbr.rel $0x88, $3  }
0x1: {  	(tag) =	ssettag $0x0;
	lr =	simm.s32 $0x1  }
0x2: {  	[smem:$0x3F8D] =	sst lr;
	_ =	strace $0xD0000000  }
0x3: {  	_ = 	snop  }
0x4: {  	_ = 	snop  }
0x5: {  	_ = 	snop  }
0x6: {  	_ = 	snop  }
0x7: {  	_ = 	snop  }
__scs_overlays_trampoline_lowered:
0x8: {  	[smem:$0x3F9C] =	sst s0  }
0x9: {  	[smem:$0x3F9D] =	sst s1  }
0xa: {  	[smem:$0x3F9E] =	sst s2  }
0xb: {  	[smem:$0x3F9F] =	sst s3  }
0xc: {  	[smem:$0x3FA0] =	sst s4  }
0xd: {  	[smem:$0x3FA1] =	sst s5  }
0xe: {  	[smem:$0x3FA2] =	sst s6  }
0xf: {  	[smem:$0x3FA3] =	sst s7  }
0x10: {  	[smem:$0x3FA4] =	sst s8  }
0x11: {  	[smem:$0x3FA5] =	sst s9;
	s0 =	simm.s32 @!p0 $0x0  }
0x12: {  	s1 =	sld [smem:$0x3F8B];
	s0 =	simm.s32 @p0 $0x1  }
0x13: {  	[smem:$0x3FA6] =	sst s0;
	s0 =	simm.s32 @!p1 $0x0  }
0x14: {  	s2 =	sld [smem:$0x3F8A];
	s0 =	simm.s32 @p1 $0x1  }
0x15: {  	[smem:$0x3FA7] =	sst s0;
	s0 =	simm.s32 @!p2 $0x0  }
0x16: {  	s3 =	sld [smem:$0x3FDB];
	s0 =	simm.s32 @p2 $0x1  }
0x17: {  	s4 =	simm.s32 $0x1BF5;
	[smem:$0x3FA9] =	sst s0  }
0x18: {  	s0 =	sld [smem:$0x3F8C];
	_ =	swait.ge [sflag:s4], $0x0  }
0x19: {  	s7 =	sld [smem:$0x3F8D]  }
0x1a: {  	s8 =	sadd.s32 $0xFFFFE003, lr  }
0x1b: {  	s9 =	sadd.s32 $0xFFFFFEF7, lr;
	s5 =	simm.s32 $0xFFFFFFFF;
	p2 =	slt.u32 s8, $0xFFFFF086  }
0x1c: {  	p1 =	slt.u32 s9, $0xF7A;
	s5 =	simm.s32 @!p2 $0x0  }
0x1d: {  	s5 =	simm.s32 @p1 $0x1;
	p0 =	seq.s32 s7, s2  }
0x1e: {  	s7 =	smul.u32 @!p0 $0xF7A, s2;
	p2 =	seq.s32 @!p0 s5, $0x0  }
0x1f: {  	s9 =	smul.u32 $0xF7A, s1;
	s8 =	simm.s32 @!p0 $0x1BF5;
	p2 =	por !p2, p0  }
0x20: {  	[sflag:s8] =	ssyncset.s32 @!p0 $0xFFFFF086;
	s6 =	sadd.s32 @!p0 s3, s7;
	s7 =	simm.s32 @!p0 $0x108  }
0x21: {  	s3 =	sadd.s32 s3, s9;
	s6 =	sadd.s32 @!p0 $0x88, s6;
	s7 =	simm.s32 @p2 $0x1082  }
0x22: {  	[simem:s7], [sflag:s8] =	dma.local @!p0 [hbm:s6], $0xF7A  }
0x23: {  	s9 =	sor.u32 $0xD0000000, s2;
	s6 =	simm.s32 $0x108;
	_ =	swait.ge @!p0 [sflag:s8], $0x0  }
0x24: {  	s3 =	sadd.s32 $0x88, s3;
	s6 =	simm.s32 @!p1 $0x1082;
	[sflag:s4] =	ssyncset.s32 $0xFFFFF086  }
0x25: {  	[simem:s6], [sflag:s4] =	dma.local [hbm:s3], $0xF7A  }
0x26: {  	[smem:$0x3F8D] =	sst s1;
	(tag) =	ssettag s2;
	_ =	strace s9  }
0x27: {  	s1 =	sld [smem:$0x3F9D]  }
0x28: {  	s2 =	sld [smem:$0x3F9E]  }
0x29: {  	s4 =	sld [smem:$0x3FA0]  }
0x2a: {  	p0 =	seq.s32 s5, $0x0;
	s5 =	sld [smem:$0x3FA1]  }
0x2b: {  	s6 =	sld [smem:$0x3FA2]  }
0x2c: {  	s7 =	sld [smem:$0x3FA3]  }
0x2d: {  	s3 =	simm.s32 $0x108;
	s8 =	sld [smem:$0x3FA4]  }
0x2e: {  	s3 =	simm.s32 @!p0 $0x1082;
	s9 =	sld [smem:$0x3FA5]  }
0x2f: {  	lr =	sadd.s32 s0, s3;
	s0 =	sld [smem:$0x3F9C]  }
0x30: {  	s3 =	sld [smem:$0x3F9F]  }
0x31: {  	[smem:$0x3FA8] =	sst s10  }
0x32: {  	s10 =	sld [smem:$0x3FA6];
	_ =	sdelay $0x3  }
0x33: {  	p0 =	seq.s32 s10, $0x1;
	s10 =	sld [smem:$0x3FA8];
	_ =	sdelay $0x3  }
0x34: {  	[smem:$0x3FA8] =	sst s10  }
0x35: {  	s10 =	sld [smem:$0x3FA7];
	_ =	sdelay $0x3  }
0x36: {  	p1 =	seq.s32 s10, $0x1;
	s10 =	sld [smem:$0x3FA8];
	_ =	sdelay $0x3  }
0x37: {  	[smem:$0x3FA8] =	sst s10  }
0x38: {  	s10 =	sld [smem:$0x3FA9]  }
0x39: {  	_ = 	snop;
	(pc) =	sbr.ind lr, $3  }
0x3a: {  	_ = 	snop  }
0x3b: {  	_ = 	snop  }
0x3c: {  	p2 =	seq.s32 s10, $0x1;
	s10 =	sld [smem:$0x3FA8]  }
0x3d: {  	_ =	shalt  }
0x3e: {  	_ =	shalt  }
0x3f: {  	_ =	shalt  }
0x40: {  	_ =	shalt  }
0x41: {  	_ =	shalt  }
0x42: {  	_ =	shalt  }
0x43: {  	_ =	shalt  }
0x44: {  	_ =	shalt  }
0x45: {  	_ =	shalt  }
0x46: {  	_ =	shalt  }
0x47: {  	_ =	shalt  }
0x48: {  	_ =	shalt  }
0x49: {  	_ =	shalt  }
0x4a: {  	_ =	shalt  }
0x4b: {  	_ =	shalt  }
0x4c: {  	_ =	shalt  }
0x4d: {  	_ =	shalt  }
0x4e: {  	_ =	shalt  }
0x4f: {  	_ =	shalt  }
0x50: {  	_ =	shalt  }
0x51: {  	_ =	shalt  }
0x52: {  	_ =	shalt  }
0x53: {  	_ =	shalt  }
0x54: {  	_ =	shalt  }
0x55: {  	_ =	shalt  }
0x56: {  	_ =	shalt  }
0x57: {  	_ =	shalt  }
0x58: {  	_ =	shalt  }
0x59: {  	_ =	shalt  }
0x5a: {  	_ =	shalt  }
0x5b: {  	_ =	shalt  }
0x5c: {  	_ =	shalt  }
0x5d: {  	_ =	shalt  }
0x5e: {  	_ =	shalt  }
0x5f: {  	_ =	shalt  }
0x60: {  	_ =	shalt  }
0x61: {  	_ =	shalt  }
0x62: {  	_ =	shalt  }
0x63: {  	_ =	shalt  }
0x64: {  	_ =	shalt  }
0x65: {  	_ =	shalt  }
0x66: {  	_ =	shalt  }
0x67: {  	_ =	shalt  }
0x68: {  	_ =	shalt  }
0x69: {  	_ =	shalt  }
0x6a: {  	_ =	shalt  }
0x6b: {  	_ =	shalt  }
0x6c: {  	_ =	shalt  }
0x6d: {  	_ =	shalt  }
0x6e: {  	_ =	shalt  }
0x6f: {  	_ =	shalt  }
0x70: {  	_ =	shalt  }
0x71: {  	_ =	shalt  }
0x72: {  	_ =	shalt  }
0x73: {  	_ =	shalt  }
0x74: {  	_ =	shalt  }
0x75: {  	_ =	shalt  }
0x76: {  	_ =	shalt  }
0x77: {  	_ =	shalt  }
0x78: {  	_ =	shalt  }
0x79: {  	_ =	shalt  }
0x7a: {  	_ =	shalt  }
0x7b: {  	_ =	shalt  }
0x7c: {  	_ =	shalt  }
0x7d: {  	_ =	shalt  }
0x7e: {  	_ =	shalt  }
0x7f: {  	_ =	shalt  }
0x80: {  	_ =	shalt  }
0x81: {  	_ =	shalt  }
0x82: {  	_ =	shalt  }
0x83: {  	_ =	shalt  }
0x84: {  	_ =	shalt  }
0x85: {  	_ =	shalt  }
0x86: {  	_ =	shalt  }
0x87: {  	_ =	shalt  }
.Lfunc_end0:
.L_simem_size_0:
called_computation.1_lowered:
.L_overlay_start_0:
0x88: {  	s2 =	sld [smem:$0x3FD9]  }
0x89: {  	s3 =	sld [smem:$0x3FFE];
	_ =	sdelay $0x1  }
0x8a: {  	s1 =	srdreg.scid  }
0x8b: {  	s0 =	sand.u32 $0x1, s1  }
0x8c: {  	s16 =	sshll.u32 s0, $0xA;
	s2 =	sadd.s32 s3, s2  }
0x8d: {  	s2 =	sadd.s32 s2, s16  }
0x8e: {  	[smem:$0x3FB4] =	sst s2  }
0x8f: {  	_ = 	snop  }
0x90: {  	(tm) =	ssettm $0x1  }
0x91: {  	s17 =	sld [smem:$0x3FFB];
	_ =	sdelay $0x3  }
0x92: {  	_ =	strace s17  }
0x93: {  	s2 =	sld [smem:$0x3FFC];
	_ =	sdelay $0x3  }
0x94: {  	_ =	strace s2  }
0x95: {  	s2 =	sld [smem:$0x3FFD];
	_ =	sdelay $0x3  }
0x96: {  	_ =	strace s2  }
0x97: {  	_ =	strace $0x8FFFFFFF  }
0x98: {  	s18 =	sld [smem:$0x3FDB];
	_ =	sdelay $0x1  }
0x99: {  	s19 =	simm.s32 $_scs_section_size  }
0x9a: {  	s4 =	simm.s32 $_size__tile_overlayer_lowered;
	s5 =	simm.s32 $_tile_overlayer_lowered  }
0x9b: {  	s22 =	simm.s32 $0x1BFF;
	s21 =	sshll.u32 s5, $0x1;
	s2 =	sadd.s32 s19, s18  }
0x9c: {  	s6 =	simm.s32 $0x0;
	s20 =	sshll.u32 s4, $0x1;
	s4 =	sadd.s32 s21, s2  }
0x9d: {  	[timem:s6], [sflag:s22] =	dma.local [hbm:s4], s20  }
0x9e: {  	_ =	swait.ge [sflag:s22], s20  }
0x9f: {  	s3 =	ssub.s32 $0x0, s20;
	[sflag:s22] =	ssyncset.done $0x0  }
0xa0: {  	[sflag:s22] =	ssyncadd.s32 s3;
	_ =	sdelay $0x1  }
0xa1: {  	s23 =	simm.s32 $0x1B8B  }
0xa2: {  	_ =	swait.ge [sflag:s23], $0x1  }
0xa3: {  	[sflag:s23] =	ssyncset.done $0x0  }
0xa4: {  	s25 =	simm.s32 $0x1B8E;
	s24 =	sld [smem:$0x3FFE];
	[sflag:s23] =	ssyncadd.s32 $0xFFFFFFFF  }
0xa5: {  	s26 =	simm.s32 $execute0_lowered;
	[smem:$0x3FD2] =	sst s25  }
0xa6: {  	s4 =	sshll.u32 s26, $0x1;
	_ =	strace $0x8000004C;
	[dreg:$0x1] =	wrdreg $0xFFFFFFFF  }
0xa7: {  	s28 =	simm.s32 $_size_execute0_lowered;
	s2 =	sadd.s32 s2, s4;
	[dreg:$0x0] =	wrdreg $0x0  }
0xa8: {  	s4 =	sshll.u32 s28, $0x1;
	[dreg:$0x2] =	wrdreg s2  }
0xa9: {  	[dreg:$0x3] =	wrdreg s4  }
0xaa: {  	[dreg:$0x4] =	wrdreg $0xC0  }
0xab: {  	_ =	task [dreg:s6], $0x5FFFF  }
0xac: {  	[dreg:$0x1] =	wrdreg $0xFFFFFFFF  }
0xad: {  	[dreg:$0x0] =	wrdreg $0x60  }
0xae: {  	[dreg:$0x2] =	wrdreg s24  }
0xaf: {  	[dreg:$0x3] =	wrdreg $0x9  }
0xb0: {  	_ =	task.clear_ibuf [dreg:s6], $0x4FFFF;
	_ =	strace $0x9000004C  }
0xb1: {  	s29 =	simm.s32 $0x9;
	_ =	strace $0x8000004E  }
0xb2: {  	_ =	swait.ge [sflag:s29], $0x1  }
0xb3: {  	[sflag:s29] =	ssyncadd.s32 $0xFFFFFFFF  }
0xb4: {  	_ =	strace $0x9000004E  }
0xb5: {  	_ =	sfence  }
0xb6: {  	s30 =	sld [smem:$0x0];
	_ =	sdelay $0x2  }
0xb7: {  	s31 =	sshll.u32 s1, $0xD;
	s1 =	sshrl.u32 s1, $0x2  }
0xb8: {  	s3 =	sand.u32 $0x4000, s31;
	s1 =	sadd.s32 s1, s30  }
0xb9: {  	s0 =	sor.u32 s3, s0;
	s1 =	sshll.u32 s1, $0x11  }
0xba: {  	s0 =	sor.u32 s1, s0  }
0xbb: {  	s0 =	sadd.s32 $0x8F2B, s0  }
0xbc: {  	[sflag:s0] =	ssyncadd.remote.s32 $0x1  }
0xbd: {  	_ =	sfence.sel $0xFFFF  }
0xbe: {  	[dreg:$0x0] =	wrdreg $0xFFFFFFFF;
	(pc) =	sbr.abs _section_cstart, $3  }
0xbf: {  	[dreg:$0x1] =	wrdreg $0xFFFFFFFF  }
0xc0: {  	_ =	task.clear_ibuf [dreg:s6], $0x2FFFF;
	_ =	strace $0x9FFFFFFF  }
0xc1: {  	(tm) =	ssettm $0x7FFFFFFF  }
tec
execute0_lowered:
.L_overlay_start_1:
0x0: {  	(tag) =	ssettag $0x1  }
0x1: {  	s8 =	rddreg [dreg:$0x0]  }
0x2: {  	s0 =	rddreg [dreg:$0x1];
	_ =	strace $0x8000004D;
	s1 =	stileid.u32  }
0x3: {  	s3 =	srdreg.scid;
	s4 =	simm.s32 $0x1;
	s7 =	simm.s32 $0x1  }
0x4: {  	s9 =	simm.s32 $0x1;
	s10 =	simm.s32 $0x3;
	s13 =	simm.s32 $0x0  }
0x5: {  	s12 =	simm.s32 $0x0;
	s5 =	sand.u32 $0x1, s3;
	s6 =	sshll.u32 s1, $0x1  }
0x6: {  	s2 =	sadd.s32 $0xB9600, s8;
	s3 =	sadd.s32 $0x44000, s8;
	s5 =	sor.u32 s6, s5  }
.Ltmp0:
0x7: {  	[sflag:s4] =	ssyncpa.u1 $0x0;
	p0 =	slt.u32 s5, $0x9;
	(pc) =	sbr.rel .LBB2_1-.Ltmp0, $4  }
0x8: {  	s6 =	simm.s32 $0x2;
	s7 =	simm.s32 @!p0 $0x0;
	p0 =	sne.s32 s5, $0x8  }
0x9: {  	[sflag:s6] =	ssyncpa.u1 $0x0;
	s5 =	smul.u32 $0x7D00, s5;
	s9 =	simm.s32 @!p0 $0x0  }
0xa: {  	s8 =	sadd.s32 $0x6B200, s8;
	[sflag:s10] =	ssyncpa.u1 $0x0;
	s7 =	sadd.s32 s9, s7  }
0xb: {  	vm0 =	vmmov $0xffff;
	s10 =	simm.s32 $0x0;
	s11 =	smov.u32 s5;
	s9 =	sadd.s32 $0x1, s7  }
.LBB2_4:
0xc: {  	v5 =	vshrl.u32 v1, $0xE;
	v6 =	vshll.u32 v1, $0x7  }
0xd: {  	vm1 =	veq.s32 v1, $0x80000000;
	v58 =	vand.u32 $0x7F, v5;
	v59 =	vand.u32 $0x1FFF80, v6  }
0xe: {  	v1 =	vsel vm1, $0xFFFFFFFF, v58;
	v5 =	vsel vm1, $0xFFFFFF80, v59  }
0xf: {  	v3 =	vor.u32 v4, v3;
	v60 =	vand.u32 $0xFFFFFC00, v5;
	v61 =	vand.u32 $0xFFFFFC00, v1  }
0x10: {  	v2 =	vor.u32 v2, v3;
	v63 =	vand.u32 $0x380, v5;
	v62 =	vadd.s32 v61, v60  }
0x11: {  	v1 =	vand.u32 $0x7F, v1;
	v3 =	vor.u32 v63, v62  }
0x12: {  	v1 =	vor.u32 v1, v3  }
0x13: {  	[tilespmem:s17], [sflag:$0x1] =	stream.indirect_vreg.gather [hbm4b:s2+s10], $0x1, v0, vm0, $0x4038;
	[tilespmem:$0x1F400] =	vst v63  }
0x14: {  	(ifvalue) =	ssetifvalue $0x7FFFFFFF  }
0x15: {  	[tilespmem:s15], [sflag:$0x1] =	stream.indirect_vreg.gather [hbm4b:s2+s10], $0x1, v2, vm0, $0x4038;
	[tilespmem:$0x1F400] =	vst v63  }
0x16: {  	s29 =	sadd.s32 $0x10, s15;
	(ifvalue) =	ssetifvalue $0x7FFFFFFF  }
0x17: {  	[tilespmem:s29], [sflag:$0x1] =	stream.indirect_vreg.gather [hbm4b:s2+s10], $0x1, v1, vm0, $0x4038;
	[tilespmem:$0x1F400] =	vst v63  }
0x18: {  	_ =	swait.ge [sflag:s4], $0x7D00  }
0x19: {  	s30 =	sshrl.u32 s13, $0x3;
	[sflag:s4] =	ssyncset.done $0x0  }
0x1a: {  	s31 =	sand.u32 $0x7, s13;
	s15 =	sadd.s32 s8, s30;
	[sflag:s4] =	ssyncadd.s32 $0xFFFF8300  }
0x1b: {  	[hbm4b:s15+s31] =	stream.linear.scatter [tilespmem:s14], [sflag:$0x3], $0x7D00, $0x38;
	[tilespmem:$0x1F400] =	vst v63  }
.LBB2_5:
0x1c: {  	s15 =	sadd.s32 $0xFA000, s11  }
0x1d: {  	p1 =	sgt.s32 s15, $0x1387FF  }
0x1e: {  	s15 =	smov.u32 @p1 s5;
	p1 =	sne.s32 s12, s9  }
.Ltmp1:
0x1f: {  	p0 =	slt.u32 s12, $0x2;
	(pc) =	sbr.rel @!p1 .LBB2_6-.Ltmp1, $4  }
0x20: {  	s14 =	simm.s32 @!p0 $0x3  }
0x21: {  	_ =	swait.ge @!p0 [sflag:s14], $0x7D00  }
0x22: {  	s16 =	sadd.s32 $0x1, s12;
	s13 =	smov.u32 s11;
	[sflag:s14] =	ssyncset.done @!p0 $0x0  }
0x23: {  	s12 =	smov.u32 s16;
	s11 =	smov.u32 s15;
	[sflag:s14] =	ssyncadd.s32 @!p0 $0xFFFF8300  }
.LBB2_1:
0x24: {  	p0 =	sge.u32 s12, s7  }
0x25: {  	s14 =	sxor.u32 @!p0 $0x1, s12  }
0x26: {  	s14 =	smul.u32 @!p0 $0x1F400, s14  }
0x27: {  	s31 =	sadd.s32 $0xFFFFFFFF, s12;
	s15 =	sshrl.u32 @!p0 s11, $0x3  }
0x28: {  	s16 =	sand.u32 @!p0 $0x7, s11;
	s15 =	sadd.s32 @!p0 s3, s15;
	s14 =	sshra.s32 @!p0 s14, $0x2  }
0x29: {  	[tilespmem:s14], [sflag:$0x2] =	stream.linear.gather @!p0 [hbm4b:s15+s16], $0x7D00, $0x38;
	[tilespmem:$0x1F400] =	vst v63  }
0x2a: {  	p0 =	sge.u32 s31, s7  }
.Ltmp2:
0x2b: {  	_ = 	snop;
	(pc) =	sbr.rel @p0 .LBB2_5-.Ltmp2, $1  }
0x2c: {  	_ =	sdelay $0x3  }
0x2d: {  	s14 =	sand.u32 $0x1, s12  }
0x2e: {  	_ =	swait.ge [sflag:s6], $0x7D00;
	p0 =	seq.s32 s14, $0x1;
	s14 =	simm.s32 $0x7D00  }
0x2f: {  	[sflag:s6] =	ssyncset.done $0x0;
	s14 =	simm.s32 @!p0 $0x0  }
0x30: {  	[sflag:s6] =	ssyncadd.s32 $0xFFFF8300;
	(ifvalue) =	ssetifvalue $0x7FFFFFFF;
	v0 =	vld.msk [tilespmem:s14+$0x0 ss:$0x1], $0xffff;
	_ =	sdelay $0x4  }
0x31: {  	s15 =	sadd.s32 $0x10, s14;
	v2 =	vshrl.u32 v0, $0xE;
	v3 =	vshll.u32 v0, $0x7  }
0x32: {  	v1 =	vld.msk [tilespmem:s15+$0x0 ss:$0x1], $0xffff;
	vm1 =	veq.s32 v0, $0x80000000;
	v0 =	vand.u32 $0x7F, v2;
	v2 =	vand.u32 $0x1FFF80, v3  }
0x33: {  	v0 =	vsel vm1, $0xFFFFFFFF, v0;
	v2 =	vsel vm1, $0xFFFFFF80, v2  }
0x34: {  	v3 =	vand.u32 $0xFFFFFC00, v2;
	v4 =	vand.u32 $0xFFFFFC00, v0  }
0x35: {  	v2 =	vand.u32 $0x380, v2;
	v3 =	vadd.s32 v4, v3  }
0x36: {  	v0 =	vand.u32 $0x7F, v0;
	v2 =	vor.u32 v2, v3  }
0x37: {  	v5 =	vshll.u32 v1, $0x7;
	v4 =	vshrl.u32 v1, $0xE;
	v0 =	vor.u32 v0, v2  }
0x38: {  	vm1 =	veq.s32 v1, $0x80000000;
	v1 =	vand.u32 $0x7F, v4;
	v4 =	vand.u32 $0x1FFF80, v5  }
0x39: {  	s14 =	sadd.s32 $0xFA00, s14;
	s15 =	sadd.s32 $0x10, s15;
	v3 =	vsel vm1, $0xFFFFFFFF, v1;
	v4 =	vsel vm1, $0xFFFFFF80, v4  }
0x3a: {  	s16 =	simm.s32 $0x20;
	s17 =	smov.u32 s14;
	v1 =	vld.msk [tilespmem:s15+$0x0 ss:$0x1], $0xffff;
	v5 =	vand.u32 $0xFFFFFC00, v4;
	v6 =	vand.u32 $0xFFFFFC00, v3  }
0x3b: {  	s18 =	sadd.s32 $0x10, s15;
	(ifvalue) =	ssetifvalue $0x7FFFFFFF;
	s15 =	sadd.s32 $0x10, s14;
	v2 =	vand.u32 $0x7F, v3;
	v4 =	vand.u32 $0x380, v4;
	v3 =	vadd.s32 v6, v5  }
.LBB2_3:
0x3c: {  	[tilespmem:s17], [sflag:$0x1] =	stream.indirect_vreg.gather [hbm4b:s2+s10], $0x1, v0, vm0, $0x4038;
	[tilespmem:$0x1F400] =	vst v63  }
0x3d: {  	s16 =	sadd.s32 $0x10, s16  }
0x3e: {  	v3 =	vor.u32 v4, v3;
	p0 =	slt.u32 s16, $0x7CF0  }
.Ltmp3:
0x3f: {  	v4 =	vshrl.u32 v1, $0xE;
	v5 =	vshll.u32 v1, $0x7;
	s17 =	smov.u32 s15;
	v0 =	vor.u32 v2, v3;
	v2 =	vmovc v1;
	v1 =	vld.msk [tilespmem:s18+$0x0 ss:$0x1], $0xffff;
	(pc) =	sbr.rel @p0 .LBB2_3-.Ltmp3, $4  }
0x40: {  	v3 =	vand.u32 $0x1FFF80, v5;
	vm1 =	veq.s32 v2, $0x80000000;
	v2 =	vand.u32 $0x7F, v4  }
0x41: {  	v4 =	vsel vm1, $0xFFFFFFFF, v2;
	v5 =	vsel vm1, $0xFFFFFF80, v3  }
0x42: {  	v2 =	vand.u32 $0x7F, v4;
	v3 =	vand.u32 $0xFFFFFC00, v5;
	v4 =	vand.u32 $0xFFFFFC00, v4  }
0x43: {  	s15 =	sadd.s32 $0x10, s15;
	s18 =	sadd.s32 $0x10, s18;
	v3 =	vadd.s32 v4, v3;
	v4 =	vand.u32 $0x380, v5;
	(ifvalue) =	ssetifvalue $0x7FFFFFFF  }
.Ltmp4:
0x44: {  	_ = 	snop;
	(pc) =	sbr.rel .LBB2_4-.Ltmp4, $1  }
0x45: {  	_ =	sdelay $0x3  }
.LBB2_6:
0x46: {  	_ =	sfence.sel $0x180000  }
0x47: {  	s2 =	simm.s32 $0x2;
	[bflag:$0x0] =	sbarrier.arrive $0xFFFF  }
0x48: {  	s30 =	simm.s32 $0x3;
	[sflag:s2] =	ssyncpa.u1 $0x1  }
0x49: {  	s31 =	simm.s32 $0x1;
	[sflag:s30] =	ssyncpa.u1 $0x1  }
0x4a: {  	[sflag:s31] =	ssyncpa.u1 $0x1  }
0x4b: {  	p0 =	sne.s32 s1, $0x0;
	_ =	strace $0x9000004D  }
0x4c: {  	s0 =	sadd.s32 @!p0 $0x100000, s0;
	[bflag:$0x2] =	sbarrier.arrive $0xFFFF  }
0x4d: {  	[sflag:s0] =	ssyncadd.tile.s32 @!p0 $0x1;
	_ =	shalt  }
.Lfunc_end2:
_tile_overlayer_lowered:
.L_overlay_start_2:
0x4e: {  	(tag) =	ssettag $0x2  }
0x4f: {  	s0 =	rddreg [dreg:$0x0];
	s2 =	stileid.u32  }
0x50: {  	s1 =	rddreg [dreg:$0x1];
	p0 =	sne.s32 s2, $0x0  }
0x51: {  	s3 =	rddreg [dreg:$0x2];
	[bflag:$0x3] =	sbarrier.arrive $0xFFFF;
	s2 =	simm.s32 @!p0 $0x1C01  }
0x52: {  	[timem:s3], [sflag:s2] =	dma.local @!p0 [hbm:s0], s1  }
0x53: {  	s0 =	simm.s32 @!p0 $0x1  }
0x54: {  	_ =	swait.ge @!p0 [sflag:s0], s1  }
0x55: {  	s1 =	ssub.s32 @!p0 $0x0, s1;
	[sflag:s0] =	ssyncset.done @!p0 $0x0  }
0x56: {  	[sflag:s0] =	ssyncadd.s32 @!p0 s1  }
0x57: {  	[bflag:$0x3] =	sbarrier.arrive $0xFFFF  }
0x58: {  	_ =	shalt  }

// kernel: gather_offload_async_start.2
scs
__scs_entry_jumppad:
0x0: {  	(pc) =	sbr.rel $0x88, $3  }
0x1: {  	(tag) =	ssettag $0x0;
	lr =	simm.s32 $0x1  }
0x2: {  	[smem:$0x3F8D] =	sst lr;
	_ =	strace $0xD0000000  }
0x3: {  	_ = 	snop  }
0x4: {  	_ = 	snop  }
0x5: {  	_ = 	snop  }
0x6: {  	_ = 	snop  }
0x7: {  	_ = 	snop  }
__scs_overlays_trampoline_lowered:
0x8: {  	[smem:$0x3F9C] =	sst s0  }
0x9: {  	[smem:$0x3F9D] =	sst s1  }
0xa: {  	[smem:$0x3F9E] =	sst s2  }
0xb: {  	[smem:$0x3F9F] =	sst s3  }
0xc: {  	[smem:$0x3FA0] =	sst s4  }
0xd: {  	[smem:$0x3FA1] =	sst s5  }
0xe: {  	[smem:$0x3FA2] =	sst s6  }
0xf: {  	[smem:$0x3FA3] =	sst s7  }
0x10: {  	[smem:$0x3FA4] =	sst s8  }
0x11: {  	[smem:$0x3FA5] =	sst s9;
	s0 =	simm.s32 @!p0 $0x0  }
0x12: {  	s1 =	sld [smem:$0x3F8B];
	s0 =	simm.s32 @p0 $0x1  }
0x13: {  	[smem:$0x3FA6] =	sst s0;
	s0 =	simm.s32 @!p1 $0x0  }
0x14: {  	s2 =	sld [smem:$0x3F8A];
	s0 =	simm.s32 @p1 $0x1  }
0x15: {  	[smem:$0x3FA7] =	sst s0;
	s0 =	simm.s32 @!p2 $0x0  }
0x16: {  	s3 =	sld [smem:$0x3FDB];
	s0 =	simm.s32 @p2 $0x1  }
0x17: {  	s4 =	simm.s32 $0x1BF5;
	[smem:$0x3FA9] =	sst s0  }
0x18: {  	s0 =	sld [smem:$0x3F8C];
	_ =	swait.ge [sflag:s4], $0x0  }
0x19: {  	s7 =	sld [smem:$0x3F8D]  }
0x1a: {  	s8 =	sadd.s32 $0xFFFFE003, lr  }
0x1b: {  	s9 =	sadd.s32 $0xFFFFFEF7, lr;
	s5 =	simm.s32 $0xFFFFFFFF;
	p2 =	slt.u32 s8, $0xFFFFF086  }
0x1c: {  	p1 =	slt.u32 s9, $0xF7A;
	s5 =	simm.s32 @!p2 $0x0  }
0x1d: {  	s5 =	simm.s32 @p1 $0x1;
	p0 =	seq.s32 s7, s2  }
0x1e: {  	s7 =	smul.u32 @!p0 $0xF7A, s2;
	p2 =	seq.s32 @!p0 s5, $0x0  }
0x1f: {  	s9 =	smul.u32 $0xF7A, s1;
	s8 =	simm.s32 @!p0 $0x1BF5;
	p2 =	por !p2, p0  }
0x20: {  	[sflag:s8] =	ssyncset.s32 @!p0 $0xFFFFF086;
	s6 =	sadd.s32 @!p0 s3, s7;
	s7 =	simm.s32 @!p0 $0x108  }
0x21: {  	s3 =	sadd.s32 s3, s9;
	s6 =	sadd.s32 @!p0 $0x88, s6;
	s7 =	simm.s32 @p2 $0x1082  }
0x22: {  	[simem:s7], [sflag:s8] =	dma.local @!p0 [hbm:s6], $0xF7A  }
0x23: {  	s9 =	sor.u32 $0xD0000000, s2;
	s6 =	simm.s32 $0x108;
	_ =	swait.ge @!p0 [sflag:s8], $0x0  }
0x24: {  	s3 =	sadd.s32 $0x88, s3;
	s6 =	simm.s32 @!p1 $0x1082;
	[sflag:s4] =	ssyncset.s32 $0xFFFFF086  }
0x25: {  	[simem:s6], [sflag:s4] =	dma.local [hbm:s3], $0xF7A  }
0x26: {  	[smem:$0x3F8D] =	sst s1;
	(tag) =	ssettag s2;
	_ =	strace s9  }
0x27: {  	s1 =	sld [smem:$0x3F9D]  }
0x28: {  	s2 =	sld [smem:$0x3F9E]  }
0x29: {  	s4 =	sld [smem:$0x3FA0]  }
0x2a: {  	p0 =	seq.s32 s5, $0x0;
	s5 =	sld [smem:$0x3FA1]  }
0x2b: {  	s6 =	sld [smem:$0x3FA2]  }
0x2c: {  	s7 =	sld [smem:$0x3FA3]  }
0x2d: {  	s3 =	simm.s32 $0x108;
	s8 =	sld [smem:$0x3FA4]  }
0x2e: {  	s3 =	simm.s32 @!p0 $0x1082;
	s9 =	sld [smem:$0x3FA5]  }
0x2f: {  	lr =	sadd.s32 s0, s3;
	s0 =	sld [smem:$0x3F9C]  }
0x30: {  	s3 =	sld [smem:$0x3F9F]  }
0x31: {  	[smem:$0x3FA8] =	sst s10  }
0x32: {  	s10 =	sld [smem:$0x3FA6];
	_ =	sdelay $0x3  }
0x33: {  	p0 =	seq.s32 s10, $0x1;
	s10 =	sld [smem:$0x3FA8];
	_ =	sdelay $0x3  }
0x34: {  	[smem:$0x3FA8] =	sst s10  }
0x35: {  	s10 =	sld [smem:$0x3FA7];
	_ =	sdelay $0x3  }
0x36: {  	p1 =	seq.s32 s10, $0x1;
	s10 =	sld [smem:$0x3FA8];
	_ =	sdelay $0x3  }
0x37: {  	[smem:$0x3FA8] =	sst s10  }
0x38: {  	s10 =	sld [smem:$0x3FA9]  }
0x39: {  	_ = 	snop;
	(pc) =	sbr.ind lr, $3  }
0x3a: {  	_ = 	snop  }
0x3b: {  	_ = 	snop  }
0x3c: {  	p2 =	seq.s32 s10, $0x1;
	s10 =	sld [smem:$0x3FA8]  }
0x3d: {  	_ =	shalt  }
0x3e: {  	_ =	shalt  }
0x3f: {  	_ =	shalt  }
0x40: {  	_ =	shalt  }
0x41: {  	_ =	shalt  }
0x42: {  	_ =	shalt  }
0x43: {  	_ =	shalt  }
0x44: {  	_ =	shalt  }
0x45: {  	_ =	shalt  }
0x46: {  	_ =	shalt  }
0x47: {  	_ =	shalt  }
0x48: {  	_ =	shalt  }
0x49: {  	_ =	shalt  }
0x4a: {  	_ =	shalt  }
0x4b: {  	_ =	shalt  }
0x4c: {  	_ =	shalt  }
0x4d: {  	_ =	shalt  }
0x4e: {  	_ =	shalt  }
0x4f: {  	_ =	shalt  }
0x50: {  	_ =	shalt  }
0x51: {  	_ =	shalt  }
0x52: {  	_ =	shalt  }
0x53: {  	_ =	shalt  }
0x54: {  	_ =	shalt  }
0x55: {  	_ =	shalt  }
0x56: {  	_ =	shalt  }
0x57: {  	_ =	shalt  }
0x58: {  	_ =	shalt  }
0x59: {  	_ =	shalt  }
0x5a: {  	_ =	shalt  }
0x5b: {  	_ =	shalt  }
0x5c: {  	_ =	shalt  }
0x5d: {  	_ =	shalt  }
0x5e: {  	_ =	shalt  }
0x5f: {  	_ =	shalt  }
0x60: {  	_ =	shalt  }
0x61: {  	_ =	shalt  }
0x62: {  	_ =	shalt  }
0x63: {  	_ =	shalt  }
0x64: {  	_ =	shalt  }
0x65: {  	_ =	shalt  }
0x66: {  	_ =	shalt  }
0x67: {  	_ =	shalt  }
0x68: {  	_ =	shalt  }
0x69: {  	_ =	shalt  }
0x6a: {  	_ =	shalt  }
0x6b: {  	_ =	shalt  }
0x6c: {  	_ =	shalt  }
0x6d: {  	_ =	shalt  }
0x6e: {  	_ =	shalt  }
0x6f: {  	_ =	shalt  }
0x70: {  	_ =	shalt  }
0x71: {  	_ =	shalt  }
0x72: {  	_ =	shalt  }
0x73: {  	_ =	shalt  }
0x74: {  	_ =	shalt  }
0x75: {  	_ =	shalt  }
0x76: {  	_ =	shalt  }
0x77: {  	_ =	shalt  }
0x78: {  	_ =	shalt  }
0x79: {  	_ =	shalt  }
0x7a: {  	_ =	shalt  }
0x7b: {  	_ =	shalt  }
0x7c: {  	_ =	shalt  }
0x7d: {  	_ =	shalt  }
0x7e: {  	_ =	shalt  }
0x7f: {  	_ =	shalt  }
0x80: {  	_ =	shalt  }
0x81: {  	_ =	shalt  }
0x82: {  	_ =	shalt  }
0x83: {  	_ =	shalt  }
0x84: {  	_ =	shalt  }
0x85: {  	_ =	shalt  }
0x86: {  	_ =	shalt  }
0x87: {  	_ =	shalt  }
.Lfunc_end0:
.L_simem_size_0:
called_computation.2_lowered:
.L_overlay_start_0:
0x88: {  	s2 =	sld [smem:$0x3FD9]  }
0x89: {  	s3 =	sld [smem:$0x3FFE];
	_ =	sdelay $0x1  }
0x8a: {  	s1 =	srdreg.scid  }
0x8b: {  	s0 =	sand.u32 $0x1, s1  }
0x8c: {  	s14 =	sshll.u32 s0, $0xA;
	s2 =	sadd.s32 s3, s2  }
0x8d: {  	s2 =	sadd.s32 s2, s14  }
0x8e: {  	[smem:$0x3FB4] =	sst s2  }
0x8f: {  	_ = 	snop  }
0x90: {  	s2 =	sld [smem:$0x3FD0];
	_ =	sdelay $0x2  }
0x91: {  	s15 =	simm.s32 $0xB;
	s4 =	simm.s32 $0x10  }
0x92: {  	[smem:s4], [sflag:s15] =	dma.local [hbm:s2], $0x1  }
0x93: {  	_ =	swait.eq [sflag:s15], $0x1  }
0x94: {  	[sflag:s15] =	ssyncset.done $0x0  }
0x95: {  	s16 =	sld [smem:$0x11];
	[sflag:s15] =	ssyncadd.s32 $0xFFFFFFFF  }
0x96: {  	s17 =	sld [smem:$0x12];
	(tm) =	ssettm $0x1  }
0x97: {  	s18 =	sld [smem:$0x3FFB];
	_ =	sdelay $0x3  }
0x98: {  	_ =	strace s18  }
0x99: {  	s4 =	sld [smem:$0x3FFC];
	_ =	sdelay $0x3  }
0x9a: {  	_ =	strace s4  }
0x9b: {  	s4 =	sld [smem:$0x3FFD];
	_ =	sdelay $0x3  }
0x9c: {  	_ =	strace s4  }
0x9d: {  	_ =	strace $0x8FFFFFFF  }
0x9e: {  	s19 =	sld [smem:$0x3FDB];
	_ =	sdelay $0x1  }
0x9f: {  	s5 =	simm.s32 $_scs_section_size  }
0xa0: {  	s6 =	simm.s32 $_size__tile_overlayer_lowered;
	s7 =	simm.s32 $_tile_overlayer_lowered  }
0xa1: {  	s22 =	simm.s32 $0x1BFF;
	s21 =	sshll.u32 s7, $0x1;
	s4 =	sadd.s32 s5, s19  }
0xa2: {  	s8 =	simm.s32 $0x0;
	s20 =	sshll.u32 s6, $0x1;
	s6 =	sadd.s32 s21, s4  }
0xa3: {  	[timem:s8], [sflag:s22] =	dma.local [hbm:s6], s20  }
0xa4: {  	_ =	swait.ge [sflag:s22], s20  }
0xa5: {  	s5 =	ssub.s32 $0x0, s20;
	[sflag:s22] =	ssyncset.done $0x0  }
0xa6: {  	[sflag:s22] =	ssyncadd.s32 s5;
	_ =	sdelay $0x1  }
0xa7: {  	s23 =	simm.s32 $0x1B8B  }
0xa8: {  	_ =	swait.ge [sflag:s23], $0x1  }
0xa9: {  	[sflag:s23] =	ssyncset.done $0x0  }
0xaa: {  	s25 =	simm.s32 $0x1B8E;
	s24 =	sld [smem:$0x3FFE];
	[sflag:s23] =	ssyncadd.s32 $0xFFFFFFFF  }
0xab: {  	s26 =	simm.s32 $execute0_lowered;
	[smem:$0x3FD2] =	sst s25  }
0xac: {  	s6 =	sshll.u32 s26, $0x1;
	_ =	strace $0x80000049;
	[dreg:$0x1] =	wrdreg $0xFFFFFFFF  }
0xad: {  	s28 =	simm.s32 $_size_execute0_lowered;
	s4 =	sadd.s32 s4, s6;
	[dreg:$0x0] =	wrdreg $0x0  }
0xae: {  	s6 =	sshll.u32 s28, $0x1;
	[dreg:$0x2] =	wrdreg s4  }
0xaf: {  	[dreg:$0x3] =	wrdreg s6  }
0xb0: {  	[dreg:$0x4] =	wrdreg $0xC0  }
0xb1: {  	_ =	task [dreg:s8], $0x5FFFF  }
0xb2: {  	[dreg:$0x1] =	wrdreg $0xFFFFFFFF  }
0xb3: {  	[dreg:$0x0] =	wrdreg $0x60  }
0xb4: {  	[dreg:$0x2] =	wrdreg s17  }
0xb5: {  	[dreg:$0x3] =	wrdreg s16  }
0xb6: {  	[dreg:$0x4] =	wrdreg s24  }
0xb7: {  	[dreg:$0x5] =	wrdreg $0x9  }
0xb8: {  	_ =	task.clear_ibuf [dreg:s8], $0x6FFFF;
	_ =	strace $0x90000049  }
0xb9: {  	s29 =	simm.s32 $0x9;
	_ =	strace $0x8000004B  }
0xba: {  	_ =	swait.ge [sflag:s29], $0x1  }
0xbb: {  	[sflag:s29] =	ssyncadd.s32 $0xFFFFFFFF  }
0xbc: {  	_ =	strace $0x9000004B  }
0xbd: {  	_ =	sfence  }
0xbe: {  	s30 =	sld [smem:$0x0];
	_ =	sdelay $0x2  }
0xbf: {  	s31 =	sshll.u32 s1, $0xD;
	s1 =	sshrl.u32 s1, $0x2  }
0xc0: {  	s3 =	sand.u32 $0x4000, s31;
	s1 =	sadd.s32 s1, s30  }
0xc1: {  	s0 =	sor.u32 s3, s0;
	s1 =	sshll.u32 s1, $0x11  }
0xc2: {  	s0 =	sor.u32 s1, s0  }
0xc3: {  	s0 =	sadd.s32 $0x8F2B, s0  }
0xc4: {  	[sflag:s0] =	ssyncadd.remote.s32 $0x1  }
0xc5: {  	_ =	sfence.sel $0xFFFF  }
0xc6: {  	[dreg:$0x0] =	wrdreg $0xFFFFFFFF;
	(pc) =	sbr.abs _section_cstart, $3  }
0xc7: {  	[dreg:$0x1] =	wrdreg $0xFFFFFFFF  }
0xc8: {  	_ =	task.clear_ibuf [dreg:s8], $0x2FFFF;
	_ =	strace $0x9FFFFFFF  }
0xc9: {  	(tm) =	ssettm $0x7FFFFFFF  }
tec
execute0_lowered:
.L_overlay_start_1:
0x0: {  	(tag) =	ssettag $0x1  }
0x1: {  	s2 =	rddreg [dreg:$0x0]  }
0x2: {  	s3 =	rddreg [dreg:$0x1]  }
0x3: {  	s8 =	rddreg [dreg:$0x2];
	s1 =	stileid.u32  }
0x4: {  	s4 =	srdreg.scid;
	s0 =	rddreg [dreg:$0x3];
	_ =	strace $0x8000004A  }
0x5: {  	s7 =	simm.s32 $0x1;
	s9 =	simm.s32 $0x1;
	s10 =	simm.s32 $0x3  }
0x6: {  	s13 =	simm.s32 $0x0;
	s5 =	sand.u32 $0x1, s4;
	s6 =	sshll.u32 s1, $0x1  }
0x7: {  	s12 =	simm.s32 $0x0;
	s4 =	simm.s32 $0x1;
	s5 =	sor.u32 s6, s5  }
.Ltmp0:
0x8: {  	[sflag:s4] =	ssyncpa.u1 $0x0;
	p0 =	slt.u32 s5, $0x9;
	(pc) =	sbr.rel .LBB2_1-.Ltmp0, $4  }
0x9: {  	s6 =	simm.s32 $0x2;
	s7 =	simm.s32 @!p0 $0x0;
	p0 =	sne.s32 s5, $0x8  }
0xa: {  	[sflag:s6] =	ssyncpa.u1 $0x0;
	s5 =	smul.u32 $0x7D00, s5;
	s9 =	simm.s32 @!p0 $0x0  }
0xb: {  	s8 =	sadd.s32 $0x7A00, s8;
	[sflag:s10] =	ssyncpa.u1 $0x0;
	s7 =	sadd.s32 s9, s7  }
0xc: {  	vm0 =	vmmov $0xffff;
	s10 =	simm.s32 $0x0;
	s11 =	smov.u32 s5;
	s9 =	sadd.s32 $0x1, s7  }
.LBB2_4:
0xd: {  	v5 =	vshrl.u32 v1, $0xE;
	v6 =	vshll.u32 v1, $0x7  }
0xe: {  	vm1 =	veq.s32 v1, $0x80000000;
	v58 =	vand.u32 $0x7F, v5;
	v59 =	vand.u32 $0x1FFF80, v6  }
0xf: {  	v1 =	vsel vm1, $0xFFFFFFFF, v58;
	v5 =	vsel vm1, $0xFFFFFF80, v59  }
0x10: {  	v3 =	vor.u32 v4, v3;
	v60 =	vand.u32 $0xFFFFFC00, v5;
	v61 =	vand.u32 $0xFFFFFC00, v1  }
0x11: {  	v2 =	vor.u32 v2, v3;
	v63 =	vand.u32 $0x380, v5;
	v62 =	vadd.s32 v61, v60  }
0x12: {  	v1 =	vand.u32 $0x7F, v1;
	v3 =	vor.u32 v63, v62  }
0x13: {  	v1 =	vor.u32 v1, v3  }
0x14: {  	[tilespmem:s17], [sflag:$0x1] =	stream.indirect_vreg.gather [hbm4b:s2+s10], $0x1, v0, vm0, $0x4038;
	[tilespmem:$0x1F400] =	vst v63  }
0x15: {  	(ifvalue) =	ssetifvalue $0x7FFFFFFF  }
0x16: {  	[tilespmem:s15], [sflag:$0x1] =	stream.indirect_vreg.gather [hbm4b:s2+s10], $0x1, v2, vm0, $0x4038;
	[tilespmem:$0x1F400] =	vst v63  }
0x17: {  	s29 =	sadd.s32 $0x10, s15;
	(ifvalue) =	ssetifvalue $0x7FFFFFFF  }
0x18: {  	[tilespmem:s29], [sflag:$0x1] =	stream.indirect_vreg.gather [hbm4b:s2+s10], $0x1, v1, vm0, $0x4038;
	[tilespmem:$0x1F400] =	vst v63  }
0x19: {  	_ =	swait.ge [sflag:s4], $0x7D00  }
0x1a: {  	s30 =	sshrl.u32 s13, $0x3;
	[sflag:s4] =	ssyncset.done $0x0  }
0x1b: {  	s31 =	sand.u32 $0x7, s13;
	s15 =	sadd.s32 s8, s30;
	[sflag:s4] =	ssyncadd.s32 $0xFFFF8300  }
0x1c: {  	[hbm4b:s15+s31] =	stream.linear.scatter [tilespmem:s14], [sflag:$0x3], $0x7D00, $0x38;
	[tilespmem:$0x1F400] =	vst v63  }
.LBB2_5:
0x1d: {  	s15 =	sadd.s32 $0xFA000, s11  }
0x1e: {  	p1 =	sgt.s32 s15, $0x1387FF  }
0x1f: {  	s15 =	smov.u32 @p1 s5;
	p1 =	sne.s32 s12, s9  }
.Ltmp1:
0x20: {  	p0 =	slt.u32 s12, $0x2;
	(pc) =	sbr.rel @!p1 .LBB2_6-.Ltmp1, $4  }
0x21: {  	s14 =	simm.s32 @!p0 $0x3  }
0x22: {  	_ =	swait.ge @!p0 [sflag:s14], $0x7D00  }
0x23: {  	s16 =	sadd.s32 $0x1, s12;
	s13 =	smov.u32 s11;
	[sflag:s14] =	ssyncset.done @!p0 $0x0  }
0x24: {  	s12 =	smov.u32 s16;
	s11 =	smov.u32 s15;
	[sflag:s14] =	ssyncadd.s32 @!p0 $0xFFFF8300  }
.LBB2_1:
0x25: {  	p0 =	sge.u32 s12, s7  }
0x26: {  	s14 =	sxor.u32 @!p0 $0x1, s12  }
0x27: {  	s14 =	smul.u32 @!p0 $0x1F400, s14  }
0x28: {  	s31 =	sadd.s32 $0xFFFFFFFF, s12;
	s15 =	sshrl.u32 @!p0 s11, $0x3  }
0x29: {  	s16 =	sand.u32 @!p0 $0x7, s11;
	s15 =	sadd.s32 @!p0 s3, s15;
	s14 =	sshra.s32 @!p0 s14, $0x2  }
0x2a: {  	[tilespmem:s14], [sflag:$0x2] =	stream.linear.gather @!p0 [hbm4b:s15+s16], $0x7D00, $0x38;
	[tilespmem:$0x1F400] =	vst v63  }
0x2b: {  	p0 =	sge.u32 s31, s7  }
.Ltmp2:
0x2c: {  	_ = 	snop;
	(pc) =	sbr.rel @p0 .LBB2_5-.Ltmp2, $1  }
0x2d: {  	_ =	sdelay $0x3  }
0x2e: {  	s14 =	sand.u32 $0x1, s12  }
0x2f: {  	_ =	swait.ge [sflag:s6], $0x7D00;
	p0 =	seq.s32 s14, $0x1;
	s14 =	simm.s32 $0x7D00  }
0x30: {  	[sflag:s6] =	ssyncset.done $0x0;
	s14 =	simm.s32 @!p0 $0x0  }
0x31: {  	[sflag:s6] =	ssyncadd.s32 $0xFFFF8300;
	(ifvalue) =	ssetifvalue $0x7FFFFFFF;
	v0 =	vld.msk [tilespmem:s14+$0x0 ss:$0x1], $0xffff;
	_ =	sdelay $0x4  }
0x32: {  	s15 =	sadd.s32 $0x10, s14;
	v2 =	vshrl.u32 v0, $0xE;
	v3 =	vshll.u32 v0, $0x7  }
0x33: {  	v1 =	vld.msk [tilespmem:s15+$0x0 ss:$0x1], $0xffff;
	vm1 =	veq.s32 v0, $0x80000000;
	v0 =	vand.u32 $0x7F, v2;
	v2 =	vand.u32 $0x1FFF80, v3  }
0x34: {  	v0 =	vsel vm1, $0xFFFFFFFF, v0;
	v2 =	vsel vm1, $0xFFFFFF80, v2  }
0x35: {  	v3 =	vand.u32 $0xFFFFFC00, v2;
	v4 =	vand.u32 $0xFFFFFC00, v0  }
0x36: {  	v2 =	vand.u32 $0x380, v2;
	v3 =	vadd.s32 v4, v3  }
0x37: {  	v0 =	vand.u32 $0x7F, v0;
	v2 =	vor.u32 v2, v3  }
0x38: {  	v5 =	vshll.u32 v1, $0x7;
	v4 =	vshrl.u32 v1, $0xE;
	v0 =	vor.u32 v0, v2  }
0x39: {  	vm1 =	veq.s32 v1, $0x80000000;
	v1 =	vand.u32 $0x7F, v4;
	v4 =	vand.u32 $0x1FFF80, v5  }
0x3a: {  	s14 =	sadd.s32 $0xFA00, s14;
	s15 =	sadd.s32 $0x10, s15;
	v3 =	vsel vm1, $0xFFFFFFFF, v1;
	v4 =	vsel vm1, $0xFFFFFF80, v4  }
0x3b: {  	s16 =	simm.s32 $0x20;
	s17 =	smov.u32 s14;
	v1 =	vld.msk [tilespmem:s15+$0x0 ss:$0x1], $0xffff;
	v5 =	vand.u32 $0xFFFFFC00, v4;
	v6 =	vand.u32 $0xFFFFFC00, v3  }
0x3c: {  	s18 =	sadd.s32 $0x10, s15;
	(ifvalue) =	ssetifvalue $0x7FFFFFFF;
	s15 =	sadd.s32 $0x10, s14;
	v2 =	vand.u32 $0x7F, v3;
	v4 =	vand.u32 $0x380, v4;
	v3 =	vadd.s32 v6, v5  }
.LBB2_3:
0x3d: {  	[tilespmem:s17], [sflag:$0x1] =	stream.indirect_vreg.gather [hbm4b:s2+s10], $0x1, v0, vm0, $0x4038;
	[tilespmem:$0x1F400] =	vst v63  }
0x3e: {  	s16 =	sadd.s32 $0x10, s16  }
0x3f: {  	v3 =	vor.u32 v4, v3;
	p0 =	slt.u32 s16, $0x7CF0  }
.Ltmp3:
0x40: {  	v4 =	vshrl.u32 v1, $0xE;
	v5 =	vshll.u32 v1, $0x7;
	s17 =	smov.u32 s15;
	v0 =	vor.u32 v2, v3;
	v2 =	vmovc v1;
	v1 =	vld.msk [tilespmem:s18+$0x0 ss:$0x1], $0xffff;
	(pc) =	sbr.rel @p0 .LBB2_3-.Ltmp3, $4  }
0x41: {  	v3 =	vand.u32 $0x1FFF80, v5;
	vm1 =	veq.s32 v2, $0x80000000;
	v2 =	vand.u32 $0x7F, v4  }
0x42: {  	v4 =	vsel vm1, $0xFFFFFFFF, v2;
	v5 =	vsel vm1, $0xFFFFFF80, v3  }
0x43: {  	v2 =	vand.u32 $0x7F, v4;
	v3 =	vand.u32 $0xFFFFFC00, v5;
	v4 =	vand.u32 $0xFFFFFC00, v4  }
0x44: {  	s15 =	sadd.s32 $0x10, s15;
	s18 =	sadd.s32 $0x10, s18;
	v3 =	vadd.s32 v4, v3;
	v4 =	vand.u32 $0x380, v5;
	(ifvalue) =	ssetifvalue $0x7FFFFFFF  }
.Ltmp4:
0x45: {  	_ = 	snop;
	(pc) =	sbr.rel .LBB2_4-.Ltmp4, $1  }
0x46: {  	_ =	sdelay $0x3  }
.LBB2_6:
0x47: {  	_ =	sfence.sel $0x180000  }
0x48: {  	s2 =	simm.s32 $0x2;
	[bflag:$0x0] =	sbarrier.arrive $0xFFFF  }
0x49: {  	s30 =	simm.s32 $0x3;
	[sflag:s2] =	ssyncpa.u1 $0x1  }
0x4a: {  	s31 =	simm.s32 $0x1;
	[sflag:s30] =	ssyncpa.u1 $0x1  }
0x4b: {  	[sflag:s31] =	ssyncpa.u1 $0x1  }
0x4c: {  	p0 =	sne.s32 s1, $0x0;
	_ =	strace $0x9000004A  }
0x4d: {  	s0 =	sadd.s32 @!p0 $0x100000, s0;
	[bflag:$0x2] =	sbarrier.arrive $0xFFFF  }
0x4e: {  	[sflag:s0] =	ssyncadd.tile.s32 @!p0 $0x1;
	_ =	shalt  }
.Lfunc_end2:
_tile_overlayer_lowered:
.L_overlay_start_2:
0x4f: {  	(tag) =	ssettag $0x2  }
0x50: {  	s0 =	rddreg [dreg:$0x0];
	s2 =	stileid.u32  }
0x51: {  	s1 =	rddreg [dreg:$0x1];
	p0 =	sne.s32 s2, $0x0  }
0x52: {  	s3 =	rddreg [dreg:$0x2];
	[bflag:$0x3] =	sbarrier.arrive $0xFFFF;
	s2 =	simm.s32 @!p0 $0x1C01  }
0x53: {  	[timem:s3], [sflag:s2] =	dma.local @!p0 [hbm:s0], s1  }
0x54: {  	s0 =	simm.s32 @!p0 $0x1  }
0x55: {  	_ =	swait.ge @!p0 [sflag:s0], s1  }
0x56: {  	s1 =	ssub.s32 @!p0 $0x0, s1;
	[sflag:s0] =	ssyncset.done @!p0 $0x0  }
0x57: {  	[sflag:s0] =	ssyncadd.s32 @!p0 s1  }
0x58: {  	[bflag:$0x3] =	sbarrier.arrive $0xFFFF  }
0x59: {  	_ =	shalt  }

// kernel: gather_offload_async_start.3
scs
__scs_entry_jumppad:
0x0: {  	(pc) =	sbr.rel $0x88, $3  }
0x1: {  	(tag) =	ssettag $0x0;
	lr =	simm.s32 $0x1  }
0x2: {  	[smem:$0x3F8D] =	sst lr;
	_ =	strace $0xD0000000  }
0x3: {  	_ = 	snop  }
0x4: {  	_ = 	snop  }
0x5: {  	_ = 	snop  }
0x6: {  	_ = 	snop  }
0x7: {  	_ = 	snop  }
__scs_overlays_trampoline_lowered:
0x8: {  	[smem:$0x3F9C] =	sst s0  }
0x9: {  	[smem:$0x3F9D] =	sst s1  }
0xa: {  	[smem:$0x3F9E] =	sst s2  }
0xb: {  	[smem:$0x3F9F] =	sst s3  }
0xc: {  	[smem:$0x3FA0] =	sst s4  }
0xd: {  	[smem:$0x3FA1] =	sst s5  }
0xe: {  	[smem:$0x3FA2] =	sst s6  }
0xf: {  	[smem:$0x3FA3] =	sst s7  }
0x10: {  	[smem:$0x3FA4] =	sst s8  }
0x11: {  	[smem:$0x3FA5] =	sst s9;
	s0 =	simm.s32 @!p0 $0x0  }
0x12: {  	s1 =	sld [smem:$0x3F8B];
	s0 =	simm.s32 @p0 $0x1  }
0x13: {  	[smem:$0x3FA6] =	sst s0;
	s0 =	simm.s32 @!p1 $0x0  }
0x14: {  	s2 =	sld [smem:$0x3F8A];
	s0 =	simm.s32 @p1 $0x1  }
0x15: {  	[smem:$0x3FA7] =	sst s0;
	s0 =	simm.s32 @!p2 $0x0  }
0x16: {  	s3 =	sld [smem:$0x3FDB];
	s0 =	simm.s32 @p2 $0x1  }
0x17: {  	s4 =	simm.s32 $0x1BF5;
	[smem:$0x3FA9] =	sst s0  }
0x18: {  	s0 =	sld [smem:$0x3F8C];
	_ =	swait.ge [sflag:s4], $0x0  }
0x19: {  	s7 =	sld [smem:$0x3F8D]  }
0x1a: {  	s8 =	sadd.s32 $0xFFFFE003, lr  }
0x1b: {  	s9 =	sadd.s32 $0xFFFFFEF7, lr;
	s5 =	simm.s32 $0xFFFFFFFF;
	p2 =	slt.u32 s8, $0xFFFFF086  }
0x1c: {  	p1 =	slt.u32 s9, $0xF7A;
	s5 =	simm.s32 @!p2 $0x0  }
0x1d: {  	s5 =	simm.s32 @p1 $0x1;
	p0 =	seq.s32 s7, s2  }
0x1e: {  	s7 =	smul.u32 @!p0 $0xF7A, s2;
	p2 =	seq.s32 @!p0 s5, $0x0  }
0x1f: {  	s9 =	smul.u32 $0xF7A, s1;
	s8 =	simm.s32 @!p0 $0x1BF5;
	p2 =	por !p2, p0  }
0x20: {  	[sflag:s8] =	ssyncset.s32 @!p0 $0xFFFFF086;
	s6 =	sadd.s32 @!p0 s3, s7;
	s7 =	simm.s32 @!p0 $0x108  }
0x21: {  	s3 =	sadd.s32 s3, s9;
	s6 =	sadd.s32 @!p0 $0x88, s6;
	s7 =	simm.s32 @p2 $0x1082  }
0x22: {  	[simem:s7], [sflag:s8] =	dma.local @!p0 [hbm:s6], $0xF7A  }
0x23: {  	s9 =	sor.u32 $0xD0000000, s2;
	s6 =	simm.s32 $0x108;
	_ =	swait.ge @!p0 [sflag:s8], $0x0  }
0x24: {  	s3 =	sadd.s32 $0x88, s3;
	s6 =	simm.s32 @!p1 $0x1082;
	[sflag:s4] =	ssyncset.s32 $0xFFFFF086  }
0x25: {  	[simem:s6], [sflag:s4] =	dma.local [hbm:s3], $0xF7A  }
0x26: {  	[smem:$0x3F8D] =	sst s1;
	(tag) =	ssettag s2;
	_ =	strace s9  }
0x27: {  	s1 =	sld [smem:$0x3F9D]  }
0x28: {  	s2 =	sld [smem:$0x3F9E]  }
0x29: {  	s4 =	sld [smem:$0x3FA0]  }
0x2a: {  	p0 =	seq.s32 s5, $0x0;
	s5 =	sld [smem:$0x3FA1]  }
0x2b: {  	s6 =	sld [smem:$0x3FA2]  }
0x2c: {  	s7 =	sld [smem:$0x3FA3]  }
0x2d: {  	s3 =	simm.s32 $0x108;
	s8 =	sld [smem:$0x3FA4]  }
0x2e: {  	s3 =	simm.s32 @!p0 $0x1082;
	s9 =	sld [smem:$0x3FA5]  }
0x2f: {  	lr =	sadd.s32 s0, s3;
	s0 =	sld [smem:$0x3F9C]  }
0x30: {  	s3 =	sld [smem:$0x3F9F]  }
0x31: {  	[smem:$0x3FA8] =	sst s10  }
0x32: {  	s10 =	sld [smem:$0x3FA6];
	_ =	sdelay $0x3  }
0x33: {  	p0 =	seq.s32 s10, $0x1;
	s10 =	sld [smem:$0x3FA8];
	_ =	sdelay $0x3  }
0x34: {  	[smem:$0x3FA8] =	sst s10  }
0x35: {  	s10 =	sld [smem:$0x3FA7];
	_ =	sdelay $0x3  }
0x36: {  	p1 =	seq.s32 s10, $0x1;
	s10 =	sld [smem:$0x3FA8];
	_ =	sdelay $0x3  }
0x37: {  	[smem:$0x3FA8] =	sst s10  }
0x38: {  	s10 =	sld [smem:$0x3FA9]  }
0x39: {  	_ = 	snop;
	(pc) =	sbr.ind lr, $3  }
0x3a: {  	_ = 	snop  }
0x3b: {  	_ = 	snop  }
0x3c: {  	p2 =	seq.s32 s10, $0x1;
	s10 =	sld [smem:$0x3FA8]  }
0x3d: {  	_ =	shalt  }
0x3e: {  	_ =	shalt  }
0x3f: {  	_ =	shalt  }
0x40: {  	_ =	shalt  }
0x41: {  	_ =	shalt  }
0x42: {  	_ =	shalt  }
0x43: {  	_ =	shalt  }
0x44: {  	_ =	shalt  }
0x45: {  	_ =	shalt  }
0x46: {  	_ =	shalt  }
0x47: {  	_ =	shalt  }
0x48: {  	_ =	shalt  }
0x49: {  	_ =	shalt  }
0x4a: {  	_ =	shalt  }
0x4b: {  	_ =	shalt  }
0x4c: {  	_ =	shalt  }
0x4d: {  	_ =	shalt  }
0x4e: {  	_ =	shalt  }
0x4f: {  	_ =	shalt  }
0x50: {  	_ =	shalt  }
0x51: {  	_ =	shalt  }
0x52: {  	_ =	shalt  }
0x53: {  	_ =	shalt  }
0x54: {  	_ =	shalt  }
0x55: {  	_ =	shalt  }
0x56: {  	_ =	shalt  }
0x57: {  	_ =	shalt  }
0x58: {  	_ =	shalt  }
0x59: {  	_ =	shalt  }
0x5a: {  	_ =	shalt  }
0x5b: {  	_ =	shalt  }
0x5c: {  	_ =	shalt  }
0x5d: {  	_ =	shalt  }
0x5e: {  	_ =	shalt  }
0x5f: {  	_ =	shalt  }
0x60: {  	_ =	shalt  }
0x61: {  	_ =	shalt  }
0x62: {  	_ =	shalt  }
0x63: {  	_ =	shalt  }
0x64: {  	_ =	shalt  }
0x65: {  	_ =	shalt  }
0x66: {  	_ =	shalt  }
0x67: {  	_ =	shalt  }
0x68: {  	_ =	shalt  }
0x69: {  	_ =	shalt  }
0x6a: {  	_ =	shalt  }
0x6b: {  	_ =	shalt  }
0x6c: {  	_ =	shalt  }
0x6d: {  	_ =	shalt  }
0x6e: {  	_ =	shalt  }
0x6f: {  	_ =	shalt  }
0x70: {  	_ =	shalt  }
0x71: {  	_ =	shalt  }
0x72: {  	_ =	shalt  }
0x73: {  	_ =	shalt  }
0x74: {  	_ =	shalt  }
0x75: {  	_ =	shalt  }
0x76: {  	_ =	shalt  }
0x77: {  	_ =	shalt  }
0x78: {  	_ =	shalt  }
0x79: {  	_ =	shalt  }
0x7a: {  	_ =	shalt  }
0x7b: {  	_ =	shalt  }
0x7c: {  	_ =	shalt  }
0x7d: {  	_ =	shalt  }
0x7e: {  	_ =	shalt  }
0x7f: {  	_ =	shalt  }
0x80: {  	_ =	shalt  }
0x81: {  	_ =	shalt  }
0x82: {  	_ =	shalt  }
0x83: {  	_ =	shalt  }
0x84: {  	_ =	shalt  }
0x85: {  	_ =	shalt  }
0x86: {  	_ =	shalt  }
0x87: {  	_ =	shalt  }
.Lfunc_end0:
.L_simem_size_0:
called_computation.3_lowered:
.L_overlay_start_0:
0x88: {  	s2 =	sld [smem:$0x3FD9]  }
0x89: {  	s3 =	sld [smem:$0x3FFE];
	_ =	sdelay $0x1  }
0x8a: {  	s1 =	srdreg.scid  }
0x8b: {  	s0 =	sand.u32 $0x1, s1  }
0x8c: {  	s15 =	sshll.u32 s0, $0xA;
	s2 =	sadd.s32 s3, s2  }
0x8d: {  	s2 =	sadd.s32 s2, s15  }
0x8e: {  	[smem:$0x3FB4] =	sst s2  }
0x8f: {  	_ = 	snop  }
0x90: {  	s2 =	sld [smem:$0x3FD0];
	_ =	sdelay $0x2  }
0x91: {  	s16 =	simm.s32 $0xB;
	s4 =	simm.s32 $0x10  }
0x92: {  	[smem:s4], [sflag:s16] =	dma.local [hbm:s2], $0x1  }
0x93: {  	_ =	swait.eq [sflag:s16], $0x1  }
0x94: {  	[sflag:s16] =	ssyncset.done $0x0  }
0x95: {  	[sflag:s16] =	ssyncadd.s32 $0xFFFFFFFF  }
0x96: {  	s17 =	sld [smem:$0x10];
	(tm) =	ssettm $0x1  }
0x97: {  	s18 =	sld [smem:$0x3FFB];
	_ =	sdelay $0x3  }
0x98: {  	_ =	strace s18  }
0x99: {  	s2 =	sld [smem:$0x3FFC];
	_ =	sdelay $0x3  }
0x9a: {  	_ =	strace s2  }
0x9b: {  	s2 =	sld [smem:$0x3FFD];
	_ =	sdelay $0x3  }
0x9c: {  	_ =	strace s2  }
0x9d: {  	_ =	strace $0x8FFFFFFF  }
0x9e: {  	s19 =	sld [smem:$0x3FDB];
	_ =	sdelay $0x1  }
0x9f: {  	s20 =	simm.s32 $_scs_section_size  }
0xa0: {  	s5 =	simm.s32 $_size__tile_overlayer_lowered;
	s6 =	simm.s32 $_tile_overlayer_lowered  }
0xa1: {  	s7 =	simm.s32 $0x1BFF;
	s21 =	sshll.u32 s6, $0x1;
	s4 =	sadd.s32 s20, s19  }
0xa2: {  	s22 =	simm.s32 $0x0;
	s5 =	sshll.u32 s5, $0x1;
	s6 =	sadd.s32 s21, s4  }
0xa3: {  	[timem:s22], [sflag:s7] =	dma.local [hbm:s6], s5  }
0xa4: {  	_ =	swait.ge [sflag:s7], s5  }
0xa5: {  	s5 =	ssub.s32 $0x0, s5;
	[sflag:s7] =	ssyncset.done $0x0  }
0xa6: {  	[sflag:s7] =	ssyncadd.s32 s5;
	_ =	sdelay $0x1  }
0xa7: {  	s23 =	simm.s32 $0x1B8B  }
0xa8: {  	_ =	swait.ge [sflag:s23], $0x1  }
0xa9: {  	[sflag:s23] =	ssyncset.done $0x0  }
0xaa: {  	[sflag:s23] =	ssyncadd.s32 $0xFFFFFFFF  }
0xab: {  	s5 =	sld [smem:$0x0]  }
0xac: {  	s6 =	sand.u32 $0xFFFFFFFE, s1  }
0xad: {  	p0 =	sne.s32 s1, s6  }
0xae: {  	s6 =	sshll.u32 @p0 s6, $0xE  }
0xaf: {  	s6 =	sadd.s32 @p0 $0x11B8D, s6;
	s7 =	sshll.u32 @p0 s5, $0x11  }
0xb0: {  	s6 =	sor.u32 @p0 s7, s6  }
0xb1: {  	[sflag:s6] =	ssyncadd.remote.s32 @p0 $0x1;
	_ =	sdelay $0x1  }
0xb2: {  	s6 =	simm.s32 @p0 $0x1B8D  }
0xb3: {  	_ =	swait.eq @p0 [sflag:s6], $0x1  }
0xb4: {  	[sflag:s6] =	ssyncadd.s32 @p0 $0xFFFFFFFF  }
0xb5: {  	s7 =	sshll.u32 @!p0 s1, $0xE  }
0xb6: {  	s7 =	sor.u32 @!p0 $0x4000, s7;
	s6 =	simm.s32 @!p0 $0x1B8D  }
0xb7: {  	s5 =	sshll.u32 @!p0 s5, $0x11;
	s7 =	sadd.s32 @!p0 $0x11B8D, s7;
	_ =	swait.eq @!p0 [sflag:s6], $0x1  }
0xb8: {  	s5 =	sor.u32 @!p0 s5, s7;
	[sflag:s6] =	ssyncadd.s32 @!p0 $0xFFFFFFFF  }
0xb9: {  	s25 =	simm.s32 $0x1B8E;
	s24 =	sld [smem:$0x3FFE];
	[sflag:s5] =	ssyncadd.remote.s32 @!p0 $0x1  }
0xba: {  	s26 =	simm.s32 $execute0_lowered;
	[smem:$0x3FD2] =	sst s25  }
0xbb: {  	s6 =	sshll.u32 s26, $0x1;
	_ =	strace $0x8000004F;
	[dreg:$0x1] =	wrdreg $0xFFFFFFFF  }
0xbc: {  	s28 =	simm.s32 $_size_execute0_lowered;
	s4 =	sadd.s32 s4, s6;
	[dreg:$0x0] =	wrdreg $0x0  }
0xbd: {  	s6 =	sshll.u32 s28, $0x1;
	[dreg:$0x2] =	wrdreg s4  }
0xbe: {  	[dreg:$0x3] =	wrdreg s6  }
0xbf: {  	[dreg:$0x4] =	wrdreg $0xC0  }
0xc0: {  	_ =	task [dreg:s22], $0x5FFFF  }
0xc1: {  	[dreg:$0x1] =	wrdreg $0xFFFFFFFF  }
0xc2: {  	[dreg:$0x0] =	wrdreg $0x60  }
0xc3: {  	[dreg:$0x2] =	wrdreg s24  }
0xc4: {  	[dreg:$0x3] =	wrdreg s17  }
0xc5: {  	[dreg:$0x4] =	wrdreg $0xA  }
0xc6: {  	_ =	task.clear_ibuf [dreg:s22], $0x5FFFF;
	_ =	strace $0x9000004F  }
0xc7: {  	s29 =	simm.s32 $0xA;
	_ =	strace $0x80000051  }
0xc8: {  	_ =	swait.ge [sflag:s29], $0x1  }
0xc9: {  	[sflag:s29] =	ssyncadd.s32 $0xFFFFFFFF  }
0xca: {  	_ =	strace $0x90000051  }
0xcb: {  	_ =	sfence  }
0xcc: {  	s30 =	sld [smem:$0x0];
	_ =	sdelay $0x2  }
0xcd: {  	s31 =	sshll.u32 s1, $0xD;
	s1 =	sshrl.u32 s1, $0x2  }
0xce: {  	s4 =	sand.u32 $0x4000, s31;
	s1 =	sadd.s32 s1, s30  }
0xcf: {  	s0 =	sor.u32 s4, s0;
	s1 =	sshll.u32 s1, $0x11  }
0xd0: {  	s0 =	sor.u32 s1, s0  }
0xd1: {  	s0 =	sadd.s32 $0x8F2B, s0  }
0xd2: {  	[sflag:s0] =	ssyncadd.remote.s32 $0x1  }
0xd3: {  	_ =	sfence.sel $0xFFFF  }
0xd4: {  	[dreg:$0x0] =	wrdreg $0xFFFFFFFF;
	(pc) =	sbr.abs _section_cstart, $3  }
0xd5: {  	[dreg:$0x1] =	wrdreg $0xFFFFFFFF  }
0xd6: {  	_ =	task.clear_ibuf [dreg:s22], $0x2FFFF;
	_ =	strace $0x9FFFFFFF  }
0xd7: {  	(tm) =	ssettm $0x7FFFFFFF  }
tec
execute0_lowered:
.L_overlay_start_1:
0x0: {  	(tag) =	ssettag $0x1  }
0x1: {  	s8 =	rddreg [dreg:$0x0]  }
0x2: {  	s2 =	rddreg [dreg:$0x1]  }
0x3: {  	s0 =	rddreg [dreg:$0x2];
	s1 =	stileid.u32  }
0x4: {  	s3 =	srdreg.scid;
	_ =	strace $0x80000050;
	s4 =	simm.s32 $0x1  }
0x5: {  	s7 =	simm.s32 $0x1;
	s9 =	simm.s32 $0x1;
	s10 =	simm.s32 $0x3  }
0x6: {  	s13 =	simm.s32 $0x0;
	s5 =	sand.u32 $0x1, s3;
	s6 =	sshll.u32 s1, $0x1  }
0x7: {  	s12 =	simm.s32 $0x0;
	s3 =	sadd.s32 $0xE0800, s8;
	s5 =	sor.u32 s6, s5  }
.Ltmp0:
0x8: {  	[sflag:s4] =	ssyncpa.u1 $0x0;
	p0 =	slt.u32 s5, $0x9;
	(pc) =	sbr.rel .LBB2_1-.Ltmp0, $4  }
0x9: {  	s6 =	simm.s32 $0x2;
	s7 =	simm.s32 @!p0 $0x0;
	p0 =	sne.s32 s5, $0x8  }
0xa: {  	[sflag:s6] =	ssyncpa.u1 $0x0;
	s5 =	smul.u32 $0x7D00, s5;
	s9 =	simm.s32 @!p0 $0x0  }
0xb: {  	s8 =	sadd.s32 $0x92400, s8;
	[sflag:s10] =	ssyncpa.u1 $0x0;
	s7 =	sadd.s32 s9, s7  }
0xc: {  	vm0 =	vmmov $0xffff;
	s10 =	simm.s32 $0x0;
	s11 =	smov.u32 s5;
	s9 =	sadd.s32 $0x1, s7  }
.LBB2_4:
0xd: {  	v5 =	vshrl.u32 v1, $0xE;
	v6 =	vshll.u32 v1, $0x7  }
0xe: {  	vm1 =	veq.s32 v1, $0x80000000;
	v58 =	vand.u32 $0x7F, v5;
	v59 =	vand.u32 $0x1FFF80, v6  }
0xf: {  	v1 =	vsel vm1, $0xFFFFFFFF, v58;
	v5 =	vsel vm1, $0xFFFFFF80, v59  }
0x10: {  	v3 =	vor.u32 v4, v3;
	v60 =	vand.u32 $0xFFFFFC00, v5;
	v61 =	vand.u32 $0xFFFFFC00, v1  }
0x11: {  	v2 =	vor.u32 v2, v3;
	v63 =	vand.u32 $0x380, v5;
	v62 =	vadd.s32 v61, v60  }
0x12: {  	v1 =	vand.u32 $0x7F, v1;
	v3 =	vor.u32 v63, v62  }
0x13: {  	v1 =	vor.u32 v1, v3  }
0x14: {  	[tilespmem:s17], [sflag:$0x1] =	stream.indirect_vreg.gather [hbm4b:s3+s10], $0x1, v0, vm0, $0x4038;
	[tilespmem:$0x1F400] =	vst v63  }
0x15: {  	(ifvalue) =	ssetifvalue $0x7FFFFFFF  }
0x16: {  	[tilespmem:s15], [sflag:$0x1] =	stream.indirect_vreg.gather [hbm4b:s3+s10], $0x1, v2, vm0, $0x4038;
	[tilespmem:$0x1F400] =	vst v63  }
0x17: {  	s29 =	sadd.s32 $0x10, s15;
	(ifvalue) =	ssetifvalue $0x7FFFFFFF  }
0x18: {  	[tilespmem:s29], [sflag:$0x1] =	stream.indirect_vreg.gather [hbm4b:s3+s10], $0x1, v1, vm0, $0x4038;
	[tilespmem:$0x1F400] =	vst v63  }
0x19: {  	_ =	swait.ge [sflag:s4], $0x7D00  }
0x1a: {  	s30 =	sshrl.u32 s13, $0x3;
	[sflag:s4] =	ssyncset.done $0x0  }
0x1b: {  	s31 =	sand.u32 $0x7, s13;
	s15 =	sadd.s32 s2, s30;
	[sflag:s4] =	ssyncadd.s32 $0xFFFF8300  }
0x1c: {  	[hbm4b:s15+s31] =	stream.linear.scatter [tilespmem:s14], [sflag:$0x3], $0x7D00, $0x38;
	[tilespmem:$0x1F400] =	vst v63  }
.LBB2_5:
0x1d: {  	s15 =	sadd.s32 $0xFA000, s11  }
0x1e: {  	p1 =	sgt.s32 s15, $0x1387FF  }
0x1f: {  	s15 =	smov.u32 @p1 s5;
	p1 =	sne.s32 s12, s9  }
.Ltmp1:
0x20: {  	p0 =	slt.u32 s12, $0x2;
	(pc) =	sbr.rel @!p1 .LBB2_6-.Ltmp1, $4  }
0x21: {  	s14 =	simm.s32 @!p0 $0x3  }
0x22: {  	_ =	swait.ge @!p0 [sflag:s14], $0x7D00  }
0x23: {  	s16 =	sadd.s32 $0x1, s12;
	s13 =	smov.u32 s11;
	[sflag:s14] =	ssyncset.done @!p0 $0x0  }
0x24: {  	s12 =	smov.u32 s16;
	s11 =	smov.u32 s15;
	[sflag:s14] =	ssyncadd.s32 @!p0 $0xFFFF8300  }
.LBB2_1:
0x25: {  	p0 =	sge.u32 s12, s7  }
0x26: {  	s14 =	sxor.u32 @!p0 $0x1, s12  }
0x27: {  	s14 =	smul.u32 @!p0 $0x1F400, s14  }
0x28: {  	s31 =	sadd.s32 $0xFFFFFFFF, s12;
	s15 =	sshrl.u32 @!p0 s11, $0x3  }
0x29: {  	s16 =	sand.u32 @!p0 $0x7, s11;
	s15 =	sadd.s32 @!p0 s8, s15;
	s14 =	sshra.s32 @!p0 s14, $0x2  }
0x2a: {  	[tilespmem:s14], [sflag:$0x2] =	stream.linear.gather @!p0 [hbm4b:s15+s16], $0x7D00, $0x38;
	[tilespmem:$0x1F400] =	vst v63  }
0x2b: {  	p0 =	sge.u32 s31, s7  }
.Ltmp2:
0x2c: {  	_ = 	snop;
	(pc) =	sbr.rel @p0 .LBB2_5-.Ltmp2, $1  }
0x2d: {  	_ =	sdelay $0x3  }
0x2e: {  	s14 =	sand.u32 $0x1, s12  }
0x2f: {  	_ =	swait.ge [sflag:s6], $0x7D00;
	p0 =	seq.s32 s14, $0x1;
	s14 =	simm.s32 $0x7D00  }
0x30: {  	[sflag:s6] =	ssyncset.done $0x0;
	s14 =	simm.s32 @!p0 $0x0  }
0x31: {  	[sflag:s6] =	ssyncadd.s32 $0xFFFF8300;
	(ifvalue) =	ssetifvalue $0x7FFFFFFF;
	v0 =	vld.msk [tilespmem:s14+$0x0 ss:$0x1], $0xffff;
	_ =	sdelay $0x4  }
0x32: {  	s15 =	sadd.s32 $0x10, s14;
	v2 =	vshrl.u32 v0, $0xE;
	v3 =	vshll.u32 v0, $0x7  }
0x33: {  	v1 =	vld.msk [tilespmem:s15+$0x0 ss:$0x1], $0xffff;
	vm1 =	veq.s32 v0, $0x80000000;
	v0 =	vand.u32 $0x7F, v2;
	v2 =	vand.u32 $0x1FFF80, v3  }
0x34: {  	v0 =	vsel vm1, $0xFFFFFFFF, v0;
	v2 =	vsel vm1, $0xFFFFFF80, v2  }
0x35: {  	v3 =	vand.u32 $0xFFFFFC00, v2;
	v4 =	vand.u32 $0xFFFFFC00, v0  }
0x36: {  	v2 =	vand.u32 $0x380, v2;
	v3 =	vadd.s32 v4, v3  }
0x37: {  	v0 =	vand.u32 $0x7F, v0;
	v2 =	vor.u32 v2, v3  }
0x38: {  	v5 =	vshll.u32 v1, $0x7;
	v4 =	vshrl.u32 v1, $0xE;
	v0 =	vor.u32 v0, v2  }
0x39: {  	vm1 =	veq.s32 v1, $0x80000000;
	v1 =	vand.u32 $0x7F, v4;
	v4 =	vand.u32 $0x1FFF80, v5  }
0x3a: {  	s14 =	sadd.s32 $0xFA00, s14;
	s15 =	sadd.s32 $0x10, s15;
	v3 =	vsel vm1, $0xFFFFFFFF, v1;
	v4 =	vsel vm1, $0xFFFFFF80, v4  }
0x3b: {  	s16 =	simm.s32 $0x20;
	s17 =	smov.u32 s14;
	v1 =	vld.msk [tilespmem:s15+$0x0 ss:$0x1], $0xffff;
	v5 =	vand.u32 $0xFFFFFC00, v4;
	v6 =	vand.u32 $0xFFFFFC00, v3  }
0x3c: {  	s18 =	sadd.s32 $0x10, s15;
	(ifvalue) =	ssetifvalue $0x7FFFFFFF;
	s15 =	sadd.s32 $0x10, s14;
	v2 =	vand.u32 $0x7F, v3;
	v4 =	vand.u32 $0x380, v4;
	v3 =	vadd.s32 v6, v5  }
.LBB2_3:
0x3d: {  	[tilespmem:s17], [sflag:$0x1] =	stream.indirect_vreg.gather [hbm4b:s3+s10], $0x1, v0, vm0, $0x4038;
	[tilespmem:$0x1F400] =	vst v63  }
0x3e: {  	s16 =	sadd.s32 $0x10, s16  }
0x3f: {  	v3 =	vor.u32 v4, v3;
	p0 =	slt.u32 s16, $0x7CF0  }
.Ltmp3:
0x40: {  	v4 =	vshrl.u32 v1, $0xE;
	v5 =	vshll.u32 v1, $0x7;
	s17 =	smov.u32 s15;
	v0 =	vor.u32 v2, v3;
	v2 =	vmovc v1;
	v1 =	vld.msk [tilespmem:s18+$0x0 ss:$0x1], $0xffff;
	(pc) =	sbr.rel @p0 .LBB2_3-.Ltmp3, $4  }
0x41: {  	v3 =	vand.u32 $0x1FFF80, v5;
	vm1 =	veq.s32 v2, $0x80000000;
	v2 =	vand.u32 $0x7F, v4  }
0x42: {  	v4 =	vsel vm1, $0xFFFFFFFF, v2;
	v5 =	vsel vm1, $0xFFFFFF80, v3  }
0x43: {  	v2 =	vand.u32 $0x7F, v4;
	v3 =	vand.u32 $0xFFFFFC00, v5;
	v4 =	vand.u32 $0xFFFFFC00, v4  }
0x44: {  	s15 =	sadd.s32 $0x10, s15;
	s18 =	sadd.s32 $0x10, s18;
	v3 =	vadd.s32 v4, v3;
	v4 =	vand.u32 $0x380, v5;
	(ifvalue) =	ssetifvalue $0x7FFFFFFF  }
.Ltmp4:
0x45: {  	_ = 	snop;
	(pc) =	sbr.rel .LBB2_4-.Ltmp4, $1  }
0x46: {  	_ =	sdelay $0x3  }
.LBB2_6:
0x47: {  	_ =	sfence.sel $0x180000  }
0x48: {  	s2 =	simm.s32 $0x2;
	[bflag:$0x0] =	sbarrier.arrive $0xFFFF  }
0x49: {  	s30 =	simm.s32 $0x3;
	[sflag:s2] =	ssyncpa.u1 $0x1  }
0x4a: {  	s31 =	simm.s32 $0x1;
	[sflag:s30] =	ssyncpa.u1 $0x1  }
0x4b: {  	[sflag:s31] =	ssyncpa.u1 $0x1  }
0x4c: {  	p0 =	sne.s32 s1, $0x0;
	_ =	strace $0x90000050  }
0x4d: {  	s0 =	sadd.s32 @!p0 $0x100000, s0;
	[bflag:$0x2] =	sbarrier.arrive $0xFFFF  }
0x4e: {  	[sflag:s0] =	ssyncadd.tile.s32 @!p0 $0x1;
	_ =	shalt  }
.Lfunc_end2:
_tile_overlayer_lowered:
.L_overlay_start_2:
0x4f: {  	(tag) =	ssettag $0x2  }
0x50: {  	s0 =	rddreg [dreg:$0x0];
	s2 =	stileid.u32  }
0x51: {  	s1 =	rddreg [dreg:$0x1];
	p0 =	sne.s32 s2, $0x0  }
0x52: {  	s3 =	rddreg [dreg:$0x2];
	[bflag:$0x3] =	sbarrier.arrive $0xFFFF;
	s2 =	simm.s32 @!p0 $0x1C01  }
0x53: {  	[timem:s3], [sflag:s2] =	dma.local @!p0 [hbm:s0], s1  }
0x54: {  	s0 =	simm.s32 @!p0 $0x1  }
0x55: {  	_ =	swait.ge @!p0 [sflag:s0], s1  }
0x56: {  	s1 =	ssub.s32 @!p0 $0x0, s1;
	[sflag:s0] =	ssyncset.done @!p0 $0x0  }
0x57: {  	[sflag:s0] =	ssyncadd.s32 @!p0 s1  }
0x58: {  	[bflag:$0x3] =	sbarrier.arrive $0xFFFF  }
0x59: {  	_ =	shalt  }

// kernel: gather_offload_async_start
scs
__scs_entry_jumppad:
0x0: {  	(pc) =	sbr.rel $0x88, $3  }
0x1: {  	(tag) =	ssettag $0x0;
	lr =	simm.s32 $0x1  }
0x2: {  	[smem:$0x3F8D] =	sst lr;
	_ =	strace $0xD0000000  }
0x3: {  	_ = 	snop  }
0x4: {  	_ = 	snop  }
0x5: {  	_ = 	snop  }
0x6: {  	_ = 	snop  }
0x7: {  	_ = 	snop  }
__scs_overlays_trampoline_lowered:
0x8: {  	[smem:$0x3F9C] =	sst s0  }
0x9: {  	[smem:$0x3F9D] =	sst s1  }
0xa: {  	[smem:$0x3F9E] =	sst s2  }
0xb: {  	[smem:$0x3F9F] =	sst s3  }
0xc: {  	[smem:$0x3FA0] =	sst s4  }
0xd: {  	[smem:$0x3FA1] =	sst s5  }
0xe: {  	[smem:$0x3FA2] =	sst s6  }
0xf: {  	[smem:$0x3FA3] =	sst s7  }
0x10: {  	[smem:$0x3FA4] =	sst s8  }
0x11: {  	[smem:$0x3FA5] =	sst s9;
	s0 =	simm.s32 @!p0 $0x0  }
0x12: {  	s1 =	sld [smem:$0x3F8B];
	s0 =	simm.s32 @p0 $0x1  }
0x13: {  	[smem:$0x3FA6] =	sst s0;
	s0 =	simm.s32 @!p1 $0x0  }
0x14: {  	s2 =	sld [smem:$0x3F8A];
	s0 =	simm.s32 @p1 $0x1  }
0x15: {  	[smem:$0x3FA7] =	sst s0;
	s0 =	simm.s32 @!p2 $0x0  }
0x16: {  	s3 =	sld [smem:$0x3FDB];
	s0 =	simm.s32 @p2 $0x1  }
0x17: {  	s4 =	simm.s32 $0x1BF5;
	[smem:$0x3FA9] =	sst s0  }
0x18: {  	s0 =	sld [smem:$0x3F8C];
	_ =	swait.ge [sflag:s4], $0x0  }
0x19: {  	s7 =	sld [smem:$0x3F8D]  }
0x1a: {  	s8 =	sadd.s32 $0xFFFFE003, lr  }
0x1b: {  	s9 =	sadd.s32 $0xFFFFFEF7, lr;
	s5 =	simm.s32 $0xFFFFFFFF;
	p2 =	slt.u32 s8, $0xFFFFF086  }
0x1c: {  	p1 =	slt.u32 s9, $0xF7A;
	s5 =	simm.s32 @!p2 $0x0  }
0x1d: {  	s5 =	simm.s32 @p1 $0x1;
	p0 =	seq.s32 s7, s2  }
0x1e: {  	s7 =	smul.u32 @!p0 $0xF7A, s2;
	p2 =	seq.s32 @!p0 s5, $0x0  }
0x1f: {  	s9 =	smul.u32 $0xF7A, s1;
	s8 =	simm.s32 @!p0 $0x1BF5;
	p2 =	por !p2, p0  }
0x20: {  	[sflag:s8] =	ssyncset.s32 @!p0 $0xFFFFF086;
	s6 =	sadd.s32 @!p0 s3, s7;
	s7 =	simm.s32 @!p0 $0x108  }
0x21: {  	s3 =	sadd.s32 s3, s9;
	s6 =	sadd.s32 @!p0 $0x88, s6;
	s7 =	simm.s32 @p2 $0x1082  }
0x22: {  	[simem:s7], [sflag:s8] =	dma.local @!p0 [hbm:s6], $0xF7A  }
0x23: {  	s9 =	sor.u32 $0xD0000000, s2;
	s6 =	simm.s32 $0x108;
	_ =	swait.ge @!p0 [sflag:s8], $0x0  }
0x24: {  	s3 =	sadd.s32 $0x88, s3;
	s6 =	simm.s32 @!p1 $0x1082;
	[sflag:s4] =	ssyncset.s32 $0xFFFFF086  }
0x25: {  	[simem:s6], [sflag:s4] =	dma.local [hbm:s3], $0xF7A  }
0x26: {  	[smem:$0x3F8D] =	sst s1;
	(tag) =	ssettag s2;
	_ =	strace s9  }
0x27: {  	s1 =	sld [smem:$0x3F9D]  }
0x28: {  	s2 =	sld [smem:$0x3F9E]  }
0x29: {  	s4 =	sld [smem:$0x3FA0]  }
0x2a: {  	p0 =	seq.s32 s5, $0x0;
	s5 =	sld [smem:$0x3FA1]  }
0x2b: {  	s6 =	sld [smem:$0x3FA2]  }
0x2c: {  	s7 =	sld [smem:$0x3FA3]  }
0x2d: {  	s3 =	simm.s32 $0x108;
	s8 =	sld [smem:$0x3FA4]  }
0x2e: {  	s3 =	simm.s32 @!p0 $0x1082;
	s9 =	sld [smem:$0x3FA5]  }
0x2f: {  	lr =	sadd.s32 s0, s3;
	s0 =	sld [smem:$0x3F9C]  }
0x30: {  	s3 =	sld [smem:$0x3F9F]  }
0x31: {  	[smem:$0x3FA8] =	sst s10  }
0x32: {  	s10 =	sld [smem:$0x3FA6];
	_ =	sdelay $0x3  }
0x33: {  	p0 =	seq.s32 s10, $0x1;
	s10 =	sld [smem:$0x3FA8];
	_ =	sdelay $0x3  }
0x34: {  	[smem:$0x3FA8] =	sst s10  }
0x35: {  	s10 =	sld [smem:$0x3FA7];
	_ =	sdelay $0x3  }
0x36: {  	p1 =	seq.s32 s10, $0x1;
	s10 =	sld [smem:$0x3FA8];
	_ =	sdelay $0x3  }
0x37: {  	[smem:$0x3FA8] =	sst s10  }
0x38: {  	s10 =	sld [smem:$0x3FA9]  }
0x39: {  	_ = 	snop;
	(pc) =	sbr.ind lr, $3  }
0x3a: {  	_ = 	snop  }
0x3b: {  	_ = 	snop  }
0x3c: {  	p2 =	seq.s32 s10, $0x1;
	s10 =	sld [smem:$0x3FA8]  }
0x3d: {  	_ =	shalt  }
0x3e: {  	_ =	shalt  }
0x3f: {  	_ =	shalt  }
0x40: {  	_ =	shalt  }
0x41: {  	_ =	shalt  }
0x42: {  	_ =	shalt  }
0x43: {  	_ =	shalt  }
0x44: {  	_ =	shalt  }
0x45: {  	_ =	shalt  }
0x46: {  	_ =	shalt  }
0x47: {  	_ =	shalt  }
0x48: {  	_ =	shalt  }
0x49: {  	_ =	shalt  }
0x4a: {  	_ =	shalt  }
0x4b: {  	_ =	shalt  }
0x4c: {  	_ =	shalt  }
0x4d: {  	_ =	shalt  }
0x4e: {  	_ =	shalt  }
0x4f: {  	_ =	shalt  }
0x50: {  	_ =	shalt  }
0x51: {  	_ =	shalt  }
0x52: {  	_ =	shalt  }
0x53: {  	_ =	shalt  }
0x54: {  	_ =	shalt  }
0x55: {  	_ =	shalt  }
0x56: {  	_ =	shalt  }
0x57: {  	_ =	shalt  }
0x58: {  	_ =	shalt  }
0x59: {  	_ =	shalt  }
0x5a: {  	_ =	shalt  }
0x5b: {  	_ =	shalt  }
0x5c: {  	_ =	shalt  }
0x5d: {  	_ =	shalt  }
0x5e: {  	_ =	shalt  }
0x5f: {  	_ =	shalt  }
0x60: {  	_ =	shalt  }
0x61: {  	_ =	shalt  }
0x62: {  	_ =	shalt  }
0x63: {  	_ =	shalt  }
0x64: {  	_ =	shalt  }
0x65: {  	_ =	shalt  }
0x66: {  	_ =	shalt  }
0x67: {  	_ =	shalt  }
0x68: {  	_ =	shalt  }
0x69: {  	_ =	shalt  }
0x6a: {  	_ =	shalt  }
0x6b: {  	_ =	shalt  }
0x6c: {  	_ =	shalt  }
0x6d: {  	_ =	shalt  }
0x6e: {  	_ =	shalt  }
0x6f: {  	_ =	shalt  }
0x70: {  	_ =	shalt  }
0x71: {  	_ =	shalt  }
0x72: {  	_ =	shalt  }
0x73: {  	_ =	shalt  }
0x74: {  	_ =	shalt  }
0x75: {  	_ =	shalt  }
0x76: {  	_ =	shalt  }
0x77: {  	_ =	shalt  }
0x78: {  	_ =	shalt  }
0x79: {  	_ =	shalt  }
0x7a: {  	_ =	shalt  }
0x7b: {  	_ =	shalt  }
0x7c: {  	_ =	shalt  }
0x7d: {  	_ =	shalt  }
0x7e: {  	_ =	shalt  }
0x7f: {  	_ =	shalt  }
0x80: {  	_ =	shalt  }
0x81: {  	_ =	shalt  }
0x82: {  	_ =	shalt  }
0x83: {  	_ =	shalt  }
0x84: {  	_ =	shalt  }
0x85: {  	_ =	shalt  }
0x86: {  	_ =	shalt  }
0x87: {  	_ =	shalt  }
.Lfunc_end0:
.L_simem_size_0:
called_computation_lowered:
.L_overlay_start_0:
0x88: {  	s2 =	sld [smem:$0x3FD9]  }
0x89: {  	s3 =	sld [smem:$0x3FFE];
	_ =	sdelay $0x1  }
0x8a: {  	s1 =	srdreg.scid  }
0x8b: {  	s0 =	sand.u32 $0x1, s1  }
0x8c: {  	s14 =	sshll.u32 s0, $0xA;
	s2 =	sadd.s32 s3, s2  }
0x8d: {  	s2 =	sadd.s32 s2, s14  }
0x8e: {  	[smem:$0x3FB4] =	sst s2  }
0x8f: {  	_ = 	snop  }
0x90: {  	s2 =	sld [smem:$0x3FD0];
	_ =	sdelay $0x2  }
0x91: {  	s15 =	simm.s32 $0xB;
	s4 =	simm.s32 $0x10  }
0x92: {  	[smem:s4], [sflag:s15] =	dma.local [hbm:s2], $0x1  }
0x93: {  	_ =	swait.eq [sflag:s15], $0x1  }
0x94: {  	[sflag:s15] =	ssyncset.done $0x0  }
0x95: {  	[sflag:s15] =	ssyncadd.s32 $0xFFFFFFFF  }
0x96: {  	s16 =	sld [smem:$0x10];
	(tm) =	ssettm $0x1  }
0x97: {  	s17 =	sld [smem:$0x3FFB];
	_ =	sdelay $0x3  }
0x98: {  	_ =	strace s17  }
0x99: {  	s3 =	sld [smem:$0x3FFC];
	_ =	sdelay $0x3  }
0x9a: {  	_ =	strace s3  }
0x9b: {  	s3 =	sld [smem:$0x3FFD];
	_ =	sdelay $0x3  }
0x9c: {  	_ =	strace s3  }
0x9d: {  	_ =	strace $0x8FFFFFFF  }
0x9e: {  	s18 =	sld [smem:$0x3FDB];
	_ =	sdelay $0x1  }
0x9f: {  	s19 =	simm.s32 $_scs_section_size  }
0xa0: {  	s5 =	simm.s32 $_size__tile_overlayer_lowered;
	s6 =	simm.s32 $_tile_overlayer_lowered  }
0xa1: {  	s22 =	simm.s32 $0x1BFF;
	s21 =	sshll.u32 s6, $0x1;
	s3 =	sadd.s32 s19, s18  }
0xa2: {  	s7 =	simm.s32 $0x0;
	s20 =	sshll.u32 s5, $0x1;
	s5 =	sadd.s32 s21, s3  }
0xa3: {  	[timem:s7], [sflag:s22] =	dma.local [hbm:s5], s20  }
0xa4: {  	_ =	swait.ge [sflag:s22], s20  }
0xa5: {  	s4 =	ssub.s32 $0x0, s20;
	[sflag:s22] =	ssyncset.done $0x0  }
0xa6: {  	[sflag:s22] =	ssyncadd.s32 s4;
	_ =	sdelay $0x1  }
0xa7: {  	s23 =	simm.s32 $0x1B8B  }
0xa8: {  	_ =	swait.ge [sflag:s23], $0x1  }
0xa9: {  	[sflag:s23] =	ssyncset.done $0x0  }
0xaa: {  	s25 =	simm.s32 $0x1B8E;
	s24 =	sld [smem:$0x3FFE];
	[sflag:s23] =	ssyncadd.s32 $0xFFFFFFFF  }
0xab: {  	s26 =	simm.s32 $execute0_lowered;
	[smem:$0x3FD2] =	sst s25  }
0xac: {  	s5 =	sshll.u32 s26, $0x1;
	_ =	strace $0x80000046;
	[dreg:$0x1] =	wrdreg $0xFFFFFFFF  }
0xad: {  	s28 =	simm.s32 $_size_execute0_lowered;
	s3 =	sadd.s32 s3, s5;
	[dreg:$0x0] =	wrdreg $0x0  }
0xae: {  	s5 =	sshll.u32 s28, $0x1;
	[dreg:$0x2] =	wrdreg s3  }
0xaf: {  	[dreg:$0x3] =	wrdreg s5  }
0xb0: {  	[dreg:$0x4] =	wrdreg $0xC0  }
0xb1: {  	_ =	task [dreg:s7], $0x5FFFF  }
0xb2: {  	[dreg:$0x1] =	wrdreg $0xFFFFFFFF  }
0xb3: {  	[dreg:$0x0] =	wrdreg $0x60  }
0xb4: {  	[dreg:$0x2] =	wrdreg s16  }
0xb5: {  	[dreg:$0x3] =	wrdreg s24  }
0xb6: {  	[dreg:$0x4] =	wrdreg $0x9  }
0xb7: {  	_ =	task.clear_ibuf [dreg:s7], $0x5FFFF;
	_ =	strace $0x90000046  }
0xb8: {  	s29 =	simm.s32 $0x9;
	_ =	strace $0x80000048  }
0xb9: {  	_ =	swait.ge [sflag:s29], $0x1  }
0xba: {  	[sflag:s29] =	ssyncadd.s32 $0xFFFFFFFF  }
0xbb: {  	_ =	strace $0x90000048  }
0xbc: {  	_ =	sfence  }
0xbd: {  	s30 =	sld [smem:$0x0];
	_ =	sdelay $0x2  }
0xbe: {  	s31 =	sshll.u32 s1, $0xD;
	s1 =	sshrl.u32 s1, $0x2  }
0xbf: {  	s3 =	sand.u32 $0x4000, s31;
	s1 =	sadd.s32 s1, s30  }
0xc0: {  	s0 =	sor.u32 s3, s0;
	s1 =	sshll.u32 s1, $0x11  }
0xc1: {  	s0 =	sor.u32 s1, s0  }
0xc2: {  	s0 =	sadd.s32 $0x8F2B, s0  }
0xc3: {  	[sflag:s0] =	ssyncadd.remote.s32 $0x1  }
0xc4: {  	_ =	sfence.sel $0xFFFF  }
0xc5: {  	[dreg:$0x0] =	wrdreg $0xFFFFFFFF;
	(pc) =	sbr.abs _section_cstart, $3  }
0xc6: {  	[dreg:$0x1] =	wrdreg $0xFFFFFFFF  }
0xc7: {  	_ =	task.clear_ibuf [dreg:s7], $0x2FFFF;
	_ =	strace $0x9FFFFFFF  }
0xc8: {  	(tm) =	ssettm $0x7FFFFFFF  }
0xc9: {  	_ =	shalt  }
tec
execute0_lowered:
.L_overlay_start_1:
0x0: {  	(tag) =	ssettag $0x1  }
0x1: {  	s2 =	rddreg [dreg:$0x0]  }
0x2: {  	s8 =	rddreg [dreg:$0x1]  }
0x3: {  	s0 =	rddreg [dreg:$0x2];
	s1 =	stileid.u32  }
0x4: {  	s3 =	srdreg.scid;
	_ =	strace $0x80000047;
	s4 =	simm.s32 $0x1  }
0x5: {  	s7 =	simm.s32 $0x1;
	s9 =	simm.s32 $0x1;
	s10 =	simm.s32 $0x3  }
0x6: {  	s13 =	simm.s32 $0x0;
	s5 =	sand.u32 $0x1, s3;
	s6 =	sshll.u32 s1, $0x1  }
0x7: {  	s12 =	simm.s32 $0x0;
	s3 =	sadd.s32 $0x7A00, s8;
	s5 =	sor.u32 s6, s5  }
.Ltmp0:
0x8: {  	[sflag:s4] =	ssyncpa.u1 $0x0;
	p0 =	slt.u32 s5, $0x9;
	(pc) =	sbr.rel .LBB2_1-.Ltmp0, $4  }
0x9: {  	s6 =	simm.s32 $0x2;
	s7 =	simm.s32 @!p0 $0x0;
	p0 =	sne.s32 s5, $0x8  }
0xa: {  	[sflag:s6] =	ssyncpa.u1 $0x0;
	s5 =	smul.u32 $0x7D00, s5;
	s9 =	simm.s32 @!p0 $0x0  }
0xb: {  	s8 =	sadd.s32 $0x6B200, s8;
	[sflag:s10] =	ssyncpa.u1 $0x0;
	s7 =	sadd.s32 s9, s7  }
0xc: {  	vm0 =	vmmov $0xffff;
	s10 =	simm.s32 $0x0;
	s11 =	smov.u32 s5;
	s9 =	sadd.s32 $0x1, s7  }
.LBB2_4:
0xd: {  	v5 =	vshrl.u32 v1, $0xE;
	v6 =	vshll.u32 v1, $0x7  }
0xe: {  	vm1 =	veq.s32 v1, $0x80000000;
	v58 =	vand.u32 $0x7F, v5;
	v59 =	vand.u32 $0x1FFF80, v6  }
0xf: {  	v1 =	vsel vm1, $0xFFFFFFFF, v58;
	v5 =	vsel vm1, $0xFFFFFF80, v59  }
0x10: {  	v3 =	vor.u32 v4, v3;
	v60 =	vand.u32 $0xFFFFFC00, v5;
	v61 =	vand.u32 $0xFFFFFC00, v1  }
0x11: {  	v2 =	vor.u32 v2, v3;
	v63 =	vand.u32 $0x380, v5;
	v62 =	vadd.s32 v61, v60  }
0x12: {  	v1 =	vand.u32 $0x7F, v1;
	v3 =	vor.u32 v63, v62  }
0x13: {  	v1 =	vor.u32 v1, v3  }
0x14: {  	[tilespmem:s17], [sflag:$0x1] =	stream.indirect_vreg.gather [hbm4b:s2+s10], $0x1, v0, vm0, $0x4038;
	[tilespmem:$0x1F400] =	vst v63  }
0x15: {  	(ifvalue) =	ssetifvalue $0x7FFFFFFF  }
0x16: {  	[tilespmem:s15], [sflag:$0x1] =	stream.indirect_vreg.gather [hbm4b:s2+s10], $0x1, v2, vm0, $0x4038;
	[tilespmem:$0x1F400] =	vst v63  }
0x17: {  	s29 =	sadd.s32 $0x10, s15;
	(ifvalue) =	ssetifvalue $0x7FFFFFFF  }
0x18: {  	[tilespmem:s29], [sflag:$0x1] =	stream.indirect_vreg.gather [hbm4b:s2+s10], $0x1, v1, vm0, $0x4038;
	[tilespmem:$0x1F400] =	vst v63  }
0x19: {  	_ =	swait.ge [sflag:s4], $0x7D00  }
0x1a: {  	s30 =	sshrl.u32 s13, $0x3;
	[sflag:s4] =	ssyncset.done $0x0  }
0x1b: {  	s31 =	sand.u32 $0x7, s13;
	s15 =	sadd.s32 s8, s30;
	[sflag:s4] =	ssyncadd.s32 $0xFFFF8300  }
0x1c: {  	[hbm4b:s15+s31] =	stream.linear.scatter [tilespmem:s14], [sflag:$0x3], $0x7D00, $0x38;
	[tilespmem:$0x1F400] =	vst v63  }
.LBB2_5:
0x1d: {  	s15 =	sadd.s32 $0xFA000, s11  }
0x1e: {  	p1 =	sgt.s32 s15, $0x1387FF  }
0x1f: {  	s15 =	smov.u32 @p1 s5;
	p1 =	sne.s32 s12, s9  }
.Ltmp1:
0x20: {  	p0 =	slt.u32 s12, $0x2;
	(pc) =	sbr.rel @!p1 .LBB2_6-.Ltmp1, $4  }
0x21: {  	s14 =	simm.s32 @!p0 $0x3  }
0x22: {  	_ =	swait.ge @!p0 [sflag:s14], $0x7D00  }
0x23: {  	s16 =	sadd.s32 $0x1, s12;
	s13 =	smov.u32 s11;
	[sflag:s14] =	ssyncset.done @!p0 $0x0  }
0x24: {  	s12 =	smov.u32 s16;
	s11 =	smov.u32 s15;
	[sflag:s14] =	ssyncadd.s32 @!p0 $0xFFFF8300  }
.LBB2_1:
0x25: {  	p0 =	sge.u32 s12, s7  }
0x26: {  	s14 =	sxor.u32 @!p0 $0x1, s12  }
0x27: {  	s14 =	smul.u32 @!p0 $0x1F400, s14  }
0x28: {  	s31 =	sadd.s32 $0xFFFFFFFF, s12;
	s15 =	sshrl.u32 @!p0 s11, $0x3  }
0x29: {  	s16 =	sand.u32 @!p0 $0x7, s11;
	s15 =	sadd.s32 @!p0 s3, s15;
	s14 =	sshra.s32 @!p0 s14, $0x2  }
0x2a: {  	[tilespmem:s14], [sflag:$0x2] =	stream.linear.gather @!p0 [hbm4b:s15+s16], $0x7D00, $0x38;
	[tilespmem:$0x1F400] =	vst v63  }
0x2b: {  	p0 =	sge.u32 s31, s7  }
.Ltmp2:
0x2c: {  	_ = 	snop;
	(pc) =	sbr.rel @p0 .LBB2_5-.Ltmp2, $1  }
0x2d: {  	_ =	sdelay $0x3  }
0x2e: {  	s14 =	sand.u32 $0x1, s12  }
0x2f: {  	_ =	swait.ge [sflag:s6], $0x7D00;
	p0 =	seq.s32 s14, $0x1;
	s14 =	simm.s32 $0x7D00  }
0x30: {  	[sflag:s6] =	ssyncset.done $0x0;
	s14 =	simm.s32 @!p0 $0x0  }
0x31: {  	[sflag:s6] =	ssyncadd.s32 $0xFFFF8300;
	(ifvalue) =	ssetifvalue $0x7FFFFFFF;
	v0 =	vld.msk [tilespmem:s14+$0x0 ss:$0x1], $0xffff;
	_ =	sdelay $0x4  }
0x32: {  	s15 =	sadd.s32 $0x10, s14;
	v2 =	vshrl.u32 v0, $0xE;
	v3 =	vshll.u32 v0, $0x7  }
0x33: {  	v1 =	vld.msk [tilespmem:s15+$0x0 ss:$0x1], $0xffff;
	vm1 =	veq.s32 v0, $0x80000000;
	v0 =	vand.u32 $0x7F, v2;
	v2 =	vand.u32 $0x1FFF80, v3  }
0x34: {  	v0 =	vsel vm1, $0xFFFFFFFF, v0;
	v2 =	vsel vm1, $0xFFFFFF80, v2  }
0x35: {  	v3 =	vand.u32 $0xFFFFFC00, v2;
	v4 =	vand.u32 $0xFFFFFC00, v0  }
0x36: {  	v2 =	vand.u32 $0x380, v2;
	v3 =	vadd.s32 v4, v3  }
0x37: {  	v0 =	vand.u32 $0x7F, v0;
	v2 =	vor.u32 v2, v3  }
0x38: {  	v5 =	vshll.u32 v1, $0x7;
	v4 =	vshrl.u32 v1, $0xE;
	v0 =	vor.u32 v0, v2  }
0x39: {  	vm1 =	veq.s32 v1, $0x80000000;
	v1 =	vand.u32 $0x7F, v4;
	v4 =	vand.u32 $0x1FFF80, v5  }
0x3a: {  	s14 =	sadd.s32 $0xFA00, s14;
	s15 =	sadd.s32 $0x10, s15;
	v3 =	vsel vm1, $0xFFFFFFFF, v1;
	v4 =	vsel vm1, $0xFFFFFF80, v4  }
0x3b: {  	s16 =	simm.s32 $0x20;
	s17 =	smov.u32 s14;
	v1 =	vld.msk [tilespmem:s15+$0x0 ss:$0x1], $0xffff;
	v5 =	vand.u32 $0xFFFFFC00, v4;
	v6 =	vand.u32 $0xFFFFFC00, v3  }
0x3c: {  	s18 =	sadd.s32 $0x10, s15;
	(ifvalue) =	ssetifvalue $0x7FFFFFFF;
	s15 =	sadd.s32 $0x10, s14;
	v2 =	vand.u32 $0x7F, v3;
	v4 =	vand.u32 $0x380, v4;
	v3 =	vadd.s32 v6, v5  }
.LBB2_3:
0x3d: {  	[tilespmem:s17], [sflag:$0x1] =	stream.indirect_vreg.gather [hbm4b:s2+s10], $0x1, v0, vm0, $0x4038;
	[tilespmem:$0x1F400] =	vst v63  }
0x3e: {  	s16 =	sadd.s32 $0x10, s16  }
0x3f: {  	v3 =	vor.u32 v4, v3;
	p0 =	slt.u32 s16, $0x7CF0  }
.Ltmp3:
0x40: {  	v4 =	vshrl.u32 v1, $0xE;
	v5 =	vshll.u32 v1, $0x7;
	s17 =	smov.u32 s15;
	v0 =	vor.u32 v2, v3;
	v2 =	vmovc v1;
	v1 =	vld.msk [tilespmem:s18+$0x0 ss:$0x1], $0xffff;
	(pc) =	sbr.rel @p0 .LBB2_3-.Ltmp3, $4  }
0x41: {  	v3 =	vand.u32 $0x1FFF80, v5;
	vm1 =	veq.s32 v2, $0x80000000;
	v2 =	vand.u32 $0x7F, v4  }
0x42: {  	v4 =	vsel vm1, $0xFFFFFFFF, v2;
	v5 =	vsel vm1, $0xFFFFFF80, v3  }
0x43: {  	v2 =	vand.u32 $0x7F, v4;
	v3 =	vand.u32 $0xFFFFFC00, v5;
	v4 =	vand.u32 $0xFFFFFC00, v4  }
0x44: {  	s15 =	sadd.s32 $0x10, s15;
	s18 =	sadd.s32 $0x10, s18;
	v3 =	vadd.s32 v4, v3;
	v4 =	vand.u32 $0x380, v5;
	(ifvalue) =	ssetifvalue $0x7FFFFFFF  }
.Ltmp4:
0x45: {  	_ = 	snop;
	(pc) =	sbr.rel .LBB2_4-.Ltmp4, $1  }
0x46: {  	_ =	sdelay $0x3  }
.LBB2_6:
0x47: {  	_ =	sfence.sel $0x180000  }
0x48: {  	s2 =	simm.s32 $0x2;
	[bflag:$0x0] =	sbarrier.arrive $0xFFFF  }
0x49: {  	s30 =	simm.s32 $0x3;
	[sflag:s2] =	ssyncpa.u1 $0x1  }
0x4a: {  	s31 =	simm.s32 $0x1;
	[sflag:s30] =	ssyncpa.u1 $0x1  }
0x4b: {  	[sflag:s31] =	ssyncpa.u1 $0x1  }
0x4c: {  	p0 =	sne.s32 s1, $0x0;
	_ =	strace $0x90000047  }
0x4d: {  	s0 =	sadd.s32 @!p0 $0x100000, s0;
	[bflag:$0x2] =	sbarrier.arrive $0xFFFF  }
0x4e: {  	[sflag:s0] =	ssyncadd.tile.s32 @!p0 $0x1;
	_ =	shalt  }
.Lfunc_end2:
_tile_overlayer_lowered:
.L_overlay_start_2:
0x4f: {  	(tag) =	ssettag $0x2  }
0x50: {  	s0 =	rddreg [dreg:$0x0];
	s2 =	stileid.u32  }
0x51: {  	s1 =	rddreg [dreg:$0x1];
	p0 =	sne.s32 s2, $0x0  }
0x52: {  	s3 =	rddreg [dreg:$0x2];
	[bflag:$0x3] =	sbarrier.arrive $0xFFFF;
	s2 =	simm.s32 @!p0 $0x1C01  }
0x53: {  	[timem:s3], [sflag:s2] =	dma.local @!p0 [hbm:s0], s1  }
0x54: {  	s0 =	simm.s32 @!p0 $0x1  }
0x55: {  	_ =	swait.ge @!p0 [sflag:s0], s1  }
0x56: {  	s1 =	ssub.s32 @!p0 $0x0, s1;
	[sflag:s0] =	ssyncset.done @!p0 $0x0  }
0x57: {  	[sflag:s0] =	ssyncadd.s32 @!p0 s1  }
0x58: {  	[bflag:$0x3] =	sbarrier.arrive $0xFFFF  }
0x59: {  	_ =	shalt  }

</sc_bundles>
